<compile_context>
chip_gen: v7x
topology: tpu7x:2x2x1
jax: 0.10.2.dev20260603
libtpu: 0.0.44.dev20260713+nightly
codegen_flags: <defaults>
</compile_context>

<pallas_src>
import functools

import jax
import jax.numpy as jnp
from jax import lax
from jax.experimental import pallas as pl
from jax.experimental.pallas import tpu as pltpu
from jax.experimental.pallas import tpu_sc as plsc

_CONF = 0.01
_IOU_T = 0.45
_TOPK = 200
_NMSMAX = 400
_K = 800
_NC = 20
_NI = 8
_NA = 20000
_ROWS = 160
_NAP = _ROWS * 128
_PAD_IDX = _NAP - 1
_NEG = -1e30


def _rm_excl_cumsum(x):
    r = x
    for k in (1, 2, 4, 8, 16, 32, 64):
        r = r + jnp.concatenate(
            [jnp.zeros((_ROWS, k), jnp.float32), r[:, : 128 - k]], axis=1)
    row_tot = jnp.sum(x, axis=1, keepdims=True)
    t = row_tot
    k = 1
    while k < _ROWS:
        t = t + jnp.concatenate(
            [jnp.zeros((k, 1), jnp.float32), t[: _ROWS - k, :]], axis=0)
        k *= 2
    return (r - x) + (t - row_tot)


def _select_kernel(ypt_ref, pm_ref, sth_ref, bxs_ref):
    c = pl.program_id(1)

    @pl.when(c == 0)
    def _decode():
        cx_p = ypt_ref[0, 21]
        cy_p = ypt_ref[0, 22]
        w_p = ypt_ref[0, 23]
        h_p = ypt_ref[0, 24]
        x1a = ypt_ref[0, 25]
        y1a = ypt_ref[0, 26]
        x2a = ypt_ref[0, 27]
        y2a = ypt_ref[0, 28]
        cxv = ypt_ref[0, 29]
        cyv = ypt_ref[0, 30]
        wv = ypt_ref[0, 31]
        hv = ypt_ref[0, 32]
        wa = x2a - x1a
        ha = y2a - y1a
        cxa = (x2a + x1a) * 0.5
        cya = (y2a + y1a) * 0.5
        cx = cx_p * cxv * wa + cxa
        cy = cy_p * cyv * ha + cya
        w = jnp.exp(w_p * wv) * wa
        h = jnp.exp(h_p * hv) * ha
        bxs_ref[0, 0] = (cx - 0.5 * w) * 512.0
        bxs_ref[0, 1] = (cy - 0.5 * h) * 512.0
        bxs_ref[0, 2] = (cx + 0.5 * w) * 512.0
        bxs_ref[0, 3] = (cy + 0.5 * h) * 512.0

    v = ypt_ref[0, pl.ds(1 + c, 1)]
    v = jnp.reshape(v, (_ROWS, 128))
    s = jnp.where(v > _CONF, v, -jnp.inf)
    sth_ref[0, 0] = s

    sbits = lax.bitcast_convert_type(s, jnp.int32)
    n_fin = jnp.sum((v > _CONF).astype(jnp.int32))
    target = jnp.minimum(_K, n_fin)

    def bs_body(_, carry):
        lo, hi = carry
        m = lo + (hi - lo) // 2
        cnt = jnp.sum((sbits > m).astype(jnp.int32))
        big = cnt >= target
        return jnp.where(big, m, lo), jnp.where(big, hi, m)

    lo0 = jnp.int32(0)
    hi0 = jnp.int32(0x7F800000)
    _, t_bits = lax.fori_loop(0, 31, bs_body, (lo0, hi0))

    gt = sbits > t_bits
    eqm = sbits == t_bits
    n_gt = jnp.sum(gt.astype(jnp.int32))
    k_eq = (target - n_gt).astype(jnp.float32)
    eq_rank = _rm_excl_cumsum(eqm.astype(jnp.float32))
    sel = gt | (eqm & (eq_rank < k_eq))
    p = _rm_excl_cumsum(sel.astype(jnp.float32)).astype(jnp.int32)
    pm_ref[0, 0] = jnp.where(sel, p, _NAP)


def _sc_compact_call(pm, sth, bxs):
    mesh = plsc.VectorSubcoreMesh(core_axis_name="c", subcore_axis_name="s")

    @functools.partial(
        pl.kernel,
        mesh=mesh,
        out_type=jax.ShapeDtypeStruct((_NI * _NC * 5 * _K,), jnp.float32),
        scratch_types=[
            pltpu.VMEM((_NAP,), jnp.int32),
            pltpu.VMEM((_K,), jnp.int32),
            pltpu.VMEM((_NAP,), jnp.float32),
            pltpu.VMEM((5 * _K,), jnp.float32),
        ],
        compiler_params=pltpu.CompilerParams(needs_layout_passes=False),
    )
    def k(pm_hbm, sth_hbm, bxs_hbm, out_hbm, pm_v, cidx_v, plane_v, obuf_v):
        wid = lax.axis_index("s") * 2 + lax.axis_index("c")

        def unit_body(u, carry):
            unit = u * 32 + wid
            img = unit // _NC
            pltpu.sync_copy(pm_hbm.at[pl.ds(unit * _NAP, _NAP)], pm_v)

            def initb(j, carry2):
                cidx_v[pl.ds(j * 16, 16)] = jnp.full((16,), _PAD_IDX, jnp.int32)
                return carry2

            lax.fori_loop(0, _K // 16, initb, 0)

            def scat(i, carry2):
                pv = pm_v[pl.ds(i * 16, 16)]
                mask = pv < _K
                gi = lax.iota(jnp.int32, 16) + i * 16
                plsc.store_scatter(cidx_v, [pv], gi, mask=mask)
                return carry2

            lax.fori_loop(0, _NAP // 16, scat, 0)

            for p in range(5):
                if p == 0:
                    pltpu.sync_copy(
                        sth_hbm.at[pl.ds(unit * _NAP, _NAP)], plane_v)
                else:
                    pltpu.sync_copy(
                        bxs_hbm.at[pl.ds((img * 4 + p - 1) * _NAP, _NAP)],
                        plane_v)

                def gath(j, carry2):
                    iv = cidx_v[pl.ds(j * 16, 16)]
                    obuf_v[pl.ds(p * _K + j * 16, 16)] = plsc.load_gather(
                        plane_v, [iv])
                    return carry2

                lax.fori_loop(0, _K // 16, gath, 0)

            pltpu.sync_copy(obuf_v, out_hbm.at[pl.ds(unit * 5 * _K, 5 * _K)])
            return carry

        lax.fori_loop(0, 5, unit_body, 0)

    return k(pm, sth, bxs)


def _nms_kernel(comp_ref, out_ref, sup_ref, msc_ref, sb_ref):
    row_i = lax.broadcasted_iota(jnp.int32, (_K, _K), 0).astype(jnp.float32)
    col_i = lax.broadcasted_iota(jnp.int32, (_K, _K), 1).astype(jnp.float32)
    lane_i = lax.broadcasted_iota(jnp.int32, (1, _K), 1).astype(jnp.float32)

    def class_body(c, carry):
        cp = comp_ref[0, pl.ds(c, 1)]
        cp = jnp.reshape(cp, (5, _K))
        score = cp[0:1, :]
        finite = score > _NEG
        n_sel = jnp.sum(finite.astype(jnp.int32)).astype(jnp.float32)
        cp = jnp.where(finite, cp, 0.0)
        s_row = cp[0:1, :]
        cpt = lax.transpose(cp, (1, 0))
        s_col = cpt[:, 0:1]
        m2 = (s_row > s_col) | ((s_row == s_col) & (col_i < row_i))
        rank_col = jnp.sum(m2.astype(jnp.float32), axis=1, keepdims=True)
        p2t = (rank_col == col_i).astype(jnp.float32)
        sorted5 = jax.lax.dot(cp, p2t, precision=jax.lax.Precision.HIGHEST)
        srt = lax.transpose(sorted5, (1, 0))
        x1r, y1r = sorted5[1:2, :], sorted5[2:3, :]
        x2r, y2r = sorted5[3:4, :], sorted5[4:5, :]
        x1c, y1c = srt[:, 1:2], srt[:, 2:3]
        x2c, y2c = srt[:, 3:4], srt[:, 4:5]
        area_r = jnp.maximum(x2r - x1r, 0.0) * jnp.maximum(y2r - y1r, 0.0)
        area_c = jnp.maximum(x2c - x1c, 0.0) * jnp.maximum(y2c - y1c, 0.0)
        ix1 = jnp.maximum(x1c, x1r)
        iy1 = jnp.maximum(y1c, y1r)
        ix2 = jnp.minimum(x2c, x2r)
        iy2 = jnp.minimum(y2c, y2r)
        inter = jnp.maximum(ix2 - ix1, 0.0) * jnp.maximum(iy2 - iy1, 0.0)
        union = area_c + area_r - inter
        iou = jnp.where(union > 0.0, inter / union, 0.0)
        sup_ref[...] = ((iou > _IOU_T) & (col_i > row_i)).astype(jnp.float32)

        keep0 = (lane_i < n_sel).astype(jnp.float32)

        def blk(b, keep):
            for i in range(32):
                gi = b * 32 + i
                oh = (lane_i == gi.astype(jnp.float32)).astype(jnp.float32)
                ki = jnp.sum(keep * oh)
                rowv = sup_ref[pl.ds(gi, 1), :]
                keep = keep * (1.0 - rowv * ki)
            return keep

        keep = lax.fori_loop(0, _K // 32, blk, keep0)

        cnt = keep
        for k in (1, 2, 4, 8, 16, 32, 64, 128, 256, 512):
            cnt = cnt + jnp.concatenate(
                [jnp.zeros((1, k), jnp.float32), cnt[:, : _K - k]], axis=1)
        selv = keep * (cnt <= float(_NMSMAX)).astype(jnp.float32)

        ss = jnp.where((lane_i < n_sel) & (selv > 0.0), sorted5[0:1, :], -jnp.inf)
        msc_ref[pl.ds(c, 1), :] = ss
        sb_ref[pl.ds(c, 1)] = jnp.reshape(sorted5[1:5, :], (1, 4, _K))
        return carry

    lax.fori_loop(0, _NC, class_body, 0)

    fi = (lax.broadcasted_iota(jnp.int32, (_NC, _K), 0).astype(jnp.float32)
          * float(_K)
          + lax.broadcasted_iota(jnp.int32, (_NC, _K), 1).astype(jnp.float32))
    lane3 = lax.broadcasted_iota(jnp.int32, (1, 1, _K), 2).astype(jnp.float32)

    def ext(k, carry):
        msc = msc_ref[...]
        m = jnp.max(msc)
        eqm = msc == m
        fidx = jnp.min(jnp.where(eqm, fi, 1e9))
        cls_f = jnp.floor(fidx * (1.0 / float(_K)))
        rank_f = fidx - cls_f * float(_K)
        valid = m > _NEG
        sbc = sb_ref[pl.ds(cls_f.astype(jnp.int32), 1)]
        ohr = (lane3 == rank_f).astype(jnp.float32)
        box = jnp.sum(sbc * ohr, axis=2)
        box = jnp.where(valid, box, 0.0)
        clso = jnp.where(valid, cls_f, 0.0) + 1.0
        sco = jnp.where(valid, m, 0.0)
        row6 = jnp.concatenate(
            [jnp.reshape(clso, (1, 1)), jnp.reshape(sco, (1, 1)), box], axis=1)
        out_ref[0, pl.ds(k, 1), :] = row6
        msc_ref[...] = jnp.where(fi == fidx, -jnp.inf, msc)
        return carry

    lax.fori_loop(0, _TOPK, ext, 0)


def kernel(y_pred):
    ypt = jnp.transpose(y_pred, (0, 2, 1))
    ypt = jnp.pad(ypt, ((0, 0), (0, 0), (0, _NAP - _NA)))
    ypt4 = ypt.reshape(_NI, 33, _ROWS, 128)

    pm, sth, bxs = pl.pallas_call(
        _select_kernel,
        grid=(_NI, _NC),
        in_specs=[pl.BlockSpec((1, 33, _ROWS, 128), lambda i, c: (i, 0, 0, 0))],
        out_specs=[
            pl.BlockSpec((1, 1, _ROWS, 128), lambda i, c: (i, c, 0, 0)),
            pl.BlockSpec((1, 1, _ROWS, 128), lambda i, c: (i, c, 0, 0)),
            pl.BlockSpec((1, 4, _ROWS, 128), lambda i, c: (i, 0, 0, 0)),
        ],
        out_shape=[
            jax.ShapeDtypeStruct((_NI, _NC, _ROWS, 128), jnp.int32),
            jax.ShapeDtypeStruct((_NI, _NC, _ROWS, 128), jnp.float32),
            jax.ShapeDtypeStruct((_NI, 4, _ROWS, 128), jnp.float32),
        ],
    )(ypt4)

    comp = _sc_compact_call(
        pm.reshape(_NI * _NC * _NAP),
        sth.reshape(_NI * _NC * _NAP),
        bxs.reshape(_NI * 4 * _NAP),
    ).reshape(_NI, _NC, 5, _K)

    out = pl.pallas_call(
        _nms_kernel,
        grid=(_NI,),
        in_specs=[pl.BlockSpec((1, _NC, 5, _K), lambda i: (i, 0, 0, 0))],
        out_specs=pl.BlockSpec((1, _TOPK, 6), lambda i: (i, 0, 0)),
        out_shape=jax.ShapeDtypeStruct((_NI, _TOPK, 6), jnp.float32),
        scratch_shapes=[
            pltpu.VMEM((_K, _K), jnp.float32),
            pltpu.VMEM((_NC, _K), jnp.float32),
            pltpu.VMEM((_NC, 4, _K), jnp.float32),
        ],
    )(comp)
    return out

# --- scband reference (transcript-rebuilt; emitter-appended) ---
"""Pipeline reference for scband-decode-detections-20169166422178 (READ-ONLY COPY).

The authoritative reference and input builder live on the scoring server;
editing this copy changes nothing except your own understanding.
"""

import jax, jax.numpy as jnp
import numpy as np

CONF_THRESH = 0.01
IOU_THRESH = 0.45
TOP_K = 200
NMS_MAX = 400
IMG_H = 512.0
IMG_W = 512.0
PRE_NMS_K = 800  # pre-NMS candidate cap per class (2x nms_max_output_size)


def _pairwise_iou(b):
    x1, y1, x2, y2 = b[:, 0], b[:, 1], b[:, 2], b[:, 3]
    area = jnp.maximum(x2 - x1, 0.0) * jnp.maximum(y2 - y1, 0.0)
    ix1 = jnp.maximum(x1[:, None], x1[None, :])
    iy1 = jnp.maximum(y1[:, None], y1[None, :])
    ix2 = jnp.minimum(x2[:, None], x2[None, :])
    iy2 = jnp.minimum(y2[:, None], y2[None, :])
    inter = jnp.maximum(ix2 - ix1, 0.0) * jnp.maximum(iy2 - iy1, 0.0)
    union = area[:, None] + area[None, :] - inter
    return jnp.where(union > 0.0, inter / union, 0.0)


def _nms_one_class(boxes, s):
    # boxes: [N,4]; s: [N] with sub-threshold entries already set to -inf
    order = jnp.argsort(-s)[:PRE_NMS_K]
    b = boxes[order]
    sc = s[order]
    iou = jax.lax.stop_gradient(_pairwise_iou(b))
    idxs = jnp.arange(PRE_NMS_K)
    init = jnp.isfinite(sc)

    def body(keep, i):
        sup = (iou[i] > IOU_THRESH) & (idxs > i)
        keep = jnp.where(keep[i], keep & (~sup), keep)
        return keep, None

    keep, _ = jax.lax.scan(body, init, idxs)
    sel = keep & (jnp.cumsum(keep.astype(jnp.int32)) <= NMS_MAX)
    return b, sc, sel


def _decode(y_pred):
    scores = y_pred[..., 1:-12]
    cx_pred = y_pred[..., -12]
    cy_pred = y_pred[..., -11]
    w_pred = y_pred[..., -10]
    h_pred = y_pred[..., -9]
    w_anchor = y_pred[..., -6] - y_pred[..., -8]
    h_anchor = y_pred[..., -5] - y_pred[..., -7]
    cx_anchor = (y_pred[..., -6] + y_pred[..., -8]) / 2.0
    cy_anchor = (y_pred[..., -5] + y_pred[..., -7]) / 2.0
    cx_var = y_pred[..., -4]
    cy_var = y_pred[..., -3]
    w_var = y_pred[..., -2]
    h_var = y_pred[..., -1]
    cx = cx_pred * cx_var * w_anchor + cx_anchor
    cy = cy_pred * cy_var * h_anchor + cy_anchor
    w = jnp.exp(w_pred * w_var) * w_anchor
    h = jnp.exp(h_pred * h_var) * h_anchor
    xmin = (cx - 0.5 * w) * IMG_W
    ymin = (cy - 0.5 * h) * IMG_H
    xmax = (cx + 0.5 * w) * IMG_W
    ymax = (cy + 0.5 * h) * IMG_H
    boxes = jnp.stack([xmin, ymin, xmax, ymax], axis=-1)
    return boxes, scores


def _forward(y_pred):
    boxes, scores = _decode(y_pred)

    def per_image(args):
        boxes_i, scores_i = args  # [N,4], [N,Cc]
        s = jnp.where(scores_i > CONF_THRESH, scores_i, -jnp.inf)
        b_c, sc_c, sel_c = jax.vmap(lambda sc: _nms_one_class(boxes_i, sc))(s.T)
        flat_scores = jnp.where(sel_c, sc_c, -jnp.inf).reshape(-1)
        flat_boxes = b_c.reshape(-1, 4)
        top_s, top_i = jax.lax.top_k(flat_scores, TOP_K)
        cls = (top_i // PRE_NMS_K).astype(jnp.float32)
        bsel = flat_boxes[top_i]
        valid = jnp.isfinite(top_s)
        out_cls = jnp.where(valid, cls, 0.0) + 1.0
        out_sc = jnp.where(valid, top_s, 0.0)
        out_b = jnp.where(valid[:, None], bsel, 0.0)
        return jnp.concatenate([out_cls[:, None], out_sc[:, None], out_b], axis=-1)

    return jax.lax.map(per_image, (boxes, scores))


def setup_inputs(seed: int = 0) -> dict:
    key = jax.random.key(seed)
    y_pred = jax.random.uniform(key, (8, 20000, 33), dtype=jnp.float32)
    return {"y_pred": y_pred}


def reference(y_pred):
    return _forward(y_pred)

if __name__ == "__main__":
    import jax
    _d = setup_inputs()
    print(jax.jit(kernel)(*tuple(_d.values())))

</pallas_src>

<mosaic_0001>
#map = affine_map<(d0, d1) -> (0)>
module attributes {stable_mosaic.version = 14 : i64} {
  func.func @k(%arg0: i32, %arg1: i32, %arg2: memref<3276800xi32, #tpu.memory_space<hbm>>, %arg3: memref<3276800xf32, #tpu.memory_space<hbm>>, %arg4: memref<655360xf32, #tpu.memory_space<hbm>>, %arg5: memref<640000xf32, #tpu.memory_space<hbm>>, %arg6: memref<20480xi32, #tpu.memory_space<vmem>>, %arg7: memref<800xi32, #tpu.memory_space<vmem>>, %arg8: memref<20480xf32, #tpu.memory_space<vmem>>, %arg9: memref<4000xf32, #tpu.memory_space<vmem>>) attributes {dimension_semantics = [#tpu.dimension_semantics<core_parallel>, #tpu.dimension_semantics<subcore_parallel>], iteration_bounds = array<i64: 2, 16>, scalar_prefetch = 0 : i64, scratch_operands = 4 : i64, tpu.core_type = #tpu.core_type<sc_vector_subcore>, window_params = [{transform_indices = #map}, {transform_indices = #map}, {transform_indices = #map}, {transform_indices = #map}]} {
    %mul3A = arith.constant 2 : i32
    %mul3A_0 = arith.muli %arg1, %mul3A : i32
    %add3A = arith.addi %mul3A_0, %arg0 : i32
    %scan3A = arith.constant 0 : i32
    %scan3A_1 = arith.constant 0 : i32
    %scan3A_2 = arith.constant 5 : i32
    %scan3A_3 = arith.addi %scan3A_1, %scan3A_2 : i32
    %scan3A_4 = arith.constant 1 : i32
    scf.for %scan3A_6 = %scan3A_1 to %scan3A_3 step %scan3A_4  : i32 {
      %mul3A_7 = arith.constant 32 : i32
      %mul3A_8 = arith.muli %scan3A_6, %mul3A_7 : i32
      %add3A_9 = arith.addi %mul3A_8, %add3A : i32
      %jit3A = arith.constant 20 : i32
      %div3A = arith.divsi %add3A_9, %jit3A : i32
      %sign3A = arith.constant 0 : i32
      %sign3A_10 = arith.cmpi sgt, %add3A_9, %sign3A : i32
      %sign3A_11 = arith.extui %sign3A_10 : i1 to i32
      %sign3A_12 = arith.constant 0 : i32
      %sign3A_13 = arith.cmpi slt, %add3A_9, %sign3A_12 : i32
      %sign3A_14 = arith.extui %sign3A_13 : i1 to i32
      %sign3A_15 = arith.subi %sign3A_11, %sign3A_14 : i32
      %sign3A_16 = arith.constant 0 : i32
      %sign3A_17 = arith.cmpi sgt, %jit3A, %sign3A_16 : i32
      %sign3A_18 = arith.extui %sign3A_17 : i1 to i32
      %sign3A_19 = arith.constant 0 : i32
      %sign3A_20 = arith.cmpi slt, %jit3A, %sign3A_19 : i32
      %sign3A_21 = arith.extui %sign3A_20 : i1 to i32
      %sign3A_22 = arith.subi %sign3A_18, %sign3A_21 : i32
      %ne3A = arith.cmpi ne, %sign3A_15, %sign3A_22 : i32
      %rem3A = arith.remsi %add3A_9, %jit3A : i32
      %ne3A_23 = arith.constant 0 : i32
      %ne3A_24 = arith.cmpi ne, %rem3A, %ne3A_23 : i32
      %and3A = arith.andi %ne3A, %ne3A_24 : i1
      %sub3A = arith.constant 1 : i32
      %sub3A_25 = arith.subi %div3A, %sub3A : i32
      %select_n3A = arith.select %and3A, %sub3A_25, %div3A : i32
      %mul3A_26 = arith.constant 20480 : i32
      %mul3A_27 = arith.muli %add3A_9, %mul3A_26 : i32
      "tpu.region"() ({
        %run_scoped3A = tpu.sem_alloc : memref<!tpu.dma_semaphore, #tpu.memory_space<semaphore_mem>>
        %dma_start3A = tpu.memref_slice %arg2[%mul3A_27] : memref<3276800xi32, #tpu.memory_space<hbm>> -> memref<20480xi32, #tpu.memory_space<hbm>>
        %dma_start3A_108 = tpu.memref_slice %arg2[%mul3A_27] : memref<3276800xi32, #tpu.memory_space<hbm>> -> memref<20480xi32, #tpu.memory_space<hbm>>
        tpu.enqueue_dma source(%dma_start3A_108 : memref<20480xi32, #tpu.memory_space<hbm>>) target(%arg6 : memref<20480xi32, #tpu.memory_space<vmem>>) target_semaphore(%run_scoped3A : memref<!tpu.dma_semaphore, #tpu.memory_space<semaphore_mem>>)
        %dma_wait3A = tpu.memref_slice %arg2[%mul3A_27] : memref<3276800xi32, #tpu.memory_space<hbm>> -> memref<20480xi32, #tpu.memory_space<hbm>>
        %dma_wait3A_109 = tpu.memref_slice %arg2[%mul3A_27] : memref<3276800xi32, #tpu.memory_space<hbm>> -> memref<20480xi32, #tpu.memory_space<hbm>>
        tpu.wait_dma2 semaphore(%run_scoped3A : memref<!tpu.dma_semaphore, #tpu.memory_space<semaphore_mem>>) src(%dma_wait3A_109 : memref<20480xi32, #tpu.memory_space<hbm>>) dst(%arg6 : memref<20480xi32, #tpu.memory_space<vmem>>)
        tpu.yield
      }) : () -> ()
      %scan3A_28 = arith.constant 0 : i32
      %scan3A_29 = arith.constant 0 : i32
      %scan3A_30 = arith.constant 50 : i32
      %scan3A_31 = arith.addi %scan3A_29, %scan3A_30 : i32
      %scan3A_32 = arith.constant 1 : i32
      scf.for %scan3A_108 = %scan3A_29 to %scan3A_31 step %scan3A_32  : i32 {
        %broadcast_in_dim3A = arith.constant 20479 : i32
        %broadcast_in_dim3A_109 = vector.broadcast %broadcast_in_dim3A : i32 to vector<16xi32>
        %mul3A_110 = arith.constant 16 : i32
        %mul3A_111 = arith.muli %scan3A_108, %mul3A_110 : i32
        %swap3A = arith.index_cast %mul3A_111 : i32 to index
        %swap3A_112 = tpu.vector_load %arg7[%swap3A] {strides = array<i32>} : memref<800xi32, #tpu.memory_space<vmem>>, vector<16xi32>,
        tpu.vector_store %arg7[%swap3A], %broadcast_in_dim3A_109 {strides = array<i32>} : memref<800xi32, #tpu.memory_space<vmem>>, vector<16xi32>,
      }
      %scan3A_33 = arith.constant 50 : i32
      %scan3A_34 = arith.constant 0 : i32
      %scan3A_35 = arith.constant 0 : i32
      %scan3A_36 = arith.constant 1280 : i32
      %scan3A_37 = arith.addi %scan3A_35, %scan3A_36 : i32
      %scan3A_38 = arith.constant 1 : i32
      scf.for %scan3A_108 = %scan3A_35 to %scan3A_37 step %scan3A_38  : i32 {
        %mul3A_109 = arith.constant 16 : i32
        %mul3A_110 = arith.muli %scan3A_108, %mul3A_109 : i32
        %get3A = arith.index_cast %mul3A_110 : i32 to index
        %get3A_111 = tpu.vector_load %arg6[%get3A] {strides = array<i32>} : memref<20480xi32, #tpu.memory_space<vmem>>, vector<16xi32>,
        %lt3A = arith.constant 800 : i32
        %lt3A_112 = vector.broadcast %lt3A : i32 to vector<16xi32>
        %lt3A_113 = arith.cmpi slt, %get3A_111, %lt3A_112 : vector<16xi32>
        %iota3A = tpu.iota {dimensions = array<i32: 0>} : vector<16xi32>
        %mul3A_114 = arith.constant 16 : i32
        %mul3A_115 = arith.muli %scan3A_108, %mul3A_114 : i32
        %add3A_116 = vector.broadcast %mul3A_115 : i32 to vector<16xi32>
        %add3A_117 = arith.addi %iota3A, %add3A_116 : vector<16xi32>
        tpu.vector_store_idx %arg7[%get3A_111], %add3A_117 masked %lt3A_113 : memref<800xi32, #tpu.memory_space<vmem>>[vector<16xi32>], vector<16xi32>, vector<16xi1>
      }
      %scan3A_39 = arith.constant 1280 : i32
      %mul3A_40 = arith.constant 20480 : i32
      %mul3A_41 = arith.muli %add3A_9, %mul3A_40 : i32
      "tpu.region"() ({
        %run_scoped3A = tpu.sem_alloc : memref<!tpu.dma_semaphore, #tpu.memory_space<semaphore_mem>>
        %dma_start3A = tpu.memref_slice %arg3[%mul3A_41] : memref<3276800xf32, #tpu.memory_space<hbm>> -> memref<20480xf32, #tpu.memory_space<hbm>>
        %dma_start3A_108 = tpu.memref_slice %arg3[%mul3A_41] : memref<3276800xf32, #tpu.memory_space<hbm>> -> memref<20480xf32, #tpu.memory_space<hbm>>
        tpu.enqueue_dma source(%dma_start3A_108 : memref<20480xf32, #tpu.memory_space<hbm>>) target(%arg8 : memref<20480xf32, #tpu.memory_space<vmem>>) target_semaphore(%run_scoped3A : memref<!tpu.dma_semaphore, #tpu.memory_space<semaphore_mem>>)
        %dma_wait3A = tpu.memref_slice %arg3[%mul3A_41] : memref<3276800xf32, #tpu.memory_space<hbm>> -> memref<20480xf32, #tpu.memory_space<hbm>>
        %dma_wait3A_109 = tpu.memref_slice %arg3[%mul3A_41] : memref<3276800xf32, #tpu.memory_space<hbm>> -> memref<20480xf32, #tpu.memory_space<hbm>>
        tpu.wait_dma2 semaphore(%run_scoped3A : memref<!tpu.dma_semaphore, #tpu.memory_space<semaphore_mem>>) src(%dma_wait3A_109 : memref<20480xf32, #tpu.memory_space<hbm>>) dst(%arg8 : memref<20480xf32, #tpu.memory_space<vmem>>)
        tpu.yield
      }) : () -> ()
      %scan3A_42 = arith.constant 0 : i32
      %scan3A_43 = arith.constant 0 : i32
      %scan3A_44 = arith.constant 50 : i32
      %scan3A_45 = arith.addi %scan3A_43, %scan3A_44 : i32
      %scan3A_46 = arith.constant 1 : i32
      scf.for %scan3A_108 = %scan3A_43 to %scan3A_45 step %scan3A_46  : i32 {
        %mul3A_109 = arith.constant 16 : i32
        %mul3A_110 = arith.muli %scan3A_108, %mul3A_109 : i32
        %get3A = arith.index_cast %mul3A_110 : i32 to index
        %get3A_111 = tpu.vector_load %arg7[%get3A] {strides = array<i32>} : memref<800xi32, #tpu.memory_space<vmem>>, vector<16xi32>,
        %gather3A = tpu.vector_load_idx %arg8[%get3A_111] : memref<20480xf32, #tpu.memory_space<vmem>>[vector<16xi32>], vector<16xf32>,
        %mul3A_112 = arith.constant 16 : i32
        %mul3A_113 = arith.muli %scan3A_108, %mul3A_112 : i32
        %add3A_114 = arith.constant 0 : i32
        %add3A_115 = arith.addi %add3A_114, %mul3A_113 : i32
        %swap3A = arith.index_cast %add3A_115 : i32 to index
        %swap3A_116 = tpu.vector_load %arg9[%swap3A] {strides = array<i32>} : memref<4000xf32, #tpu.memory_space<vmem>>, vector<16xf32>,
        tpu.vector_store %arg9[%swap3A], %gather3A {strides = array<i32>} : memref<4000xf32, #tpu.memory_space<vmem>>, vector<16xf32>,
      }
      %scan3A_47 = arith.constant 50 : i32
      %mul3A_48 = arith.constant 4 : i32
      %mul3A_49 = arith.muli %select_n3A, %mul3A_48 : i32
      %add3A_50 = arith.constant 1 : i32
      %add3A_51 = arith.addi %mul3A_49, %add3A_50 : i32
      %sub3A_52 = arith.constant 1 : i32
      %sub3A_53 = arith.subi %add3A_51, %sub3A_52 : i32
      %mul3A_54 = arith.constant 20480 : i32
      %mul3A_55 = arith.muli %sub3A_53, %mul3A_54 : i32
      "tpu.region"() ({
        %run_scoped3A = tpu.sem_alloc : memref<!tpu.dma_semaphore, #tpu.memory_space<semaphore_mem>>
        %dma_start3A = tpu.memref_slice %arg4[%mul3A_55] : memref<655360xf32, #tpu.memory_space<hbm>> -> memref<20480xf32, #tpu.memory_space<hbm>>
        %dma_start3A_108 = tpu.memref_slice %arg4[%mul3A_55] : memref<655360xf32, #tpu.memory_space<hbm>> -> memref<20480xf32, #tpu.memory_space<hbm>>
        tpu.enqueue_dma source(%dma_start3A_108 : memref<20480xf32, #tpu.memory_space<hbm>>) target(%arg8 : memref<20480xf32, #tpu.memory_space<vmem>>) target_semaphore(%run_scoped3A : memref<!tpu.dma_semaphore, #tpu.memory_space<semaphore_mem>>)
        %dma_wait3A = tpu.memref_slice %arg4[%mul3A_55] : memref<655360xf32, #tpu.memory_space<hbm>> -> memref<20480xf32, #tpu.memory_space<hbm>>
        %dma_wait3A_109 = tpu.memref_slice %arg4[%mul3A_55] : memref<655360xf32, #tpu.memory_space<hbm>> -> memref<20480xf32, #tpu.memory_space<hbm>>
        tpu.wait_dma2 semaphore(%run_scoped3A : memref<!tpu.dma_semaphore, #tpu.memory_space<semaphore_mem>>) src(%dma_wait3A_109 : memref<20480xf32, #tpu.memory_space<hbm>>) dst(%arg8 : memref<20480xf32, #tpu.memory_space<vmem>>)
        tpu.yield
      }) : () -> ()
      %scan3A_56 = arith.constant 0 : i32
      %scan3A_57 = arith.constant 0 : i32
      %scan3A_58 = arith.constant 50 : i32
      %scan3A_59 = arith.addi %scan3A_57, %scan3A_58 : i32
      %scan3A_60 = arith.constant 1 : i32
      scf.for %scan3A_108 = %scan3A_57 to %scan3A_59 step %scan3A_60  : i32 {
        %mul3A_109 = arith.constant 16 : i32
        %mul3A_110 = arith.muli %scan3A_108, %mul3A_109 : i32
        %get3A = arith.index_cast %mul3A_110 : i32 to index
        %get3A_111 = tpu.vector_load %arg7[%get3A] {strides = array<i32>} : memref<800xi32, #tpu.memory_space<vmem>>, vector<16xi32>,
        %gather3A = tpu.vector_load_idx %arg8[%get3A_111] : memref<20480xf32, #tpu.memory_space<vmem>>[vector<16xi32>], vector<16xf32>,
        %mul3A_112 = arith.constant 16 : i32
        %mul3A_113 = arith.muli %scan3A_108, %mul3A_112 : i32
        %add3A_114 = arith.constant 800 : i32
        %add3A_115 = arith.addi %add3A_114, %mul3A_113 : i32
        %swap3A = arith.index_cast %add3A_115 : i32 to index
        %swap3A_116 = tpu.vector_load %arg9[%swap3A] {strides = array<i32>} : memref<4000xf32, #tpu.memory_space<vmem>>, vector<16xf32>,
        tpu.vector_store %arg9[%swap3A], %gather3A {strides = array<i32>} : memref<4000xf32, #tpu.memory_space<vmem>>, vector<16xf32>,
      }
      %scan3A_61 = arith.constant 50 : i32
      %mul3A_62 = arith.constant 4 : i32
      %mul3A_63 = arith.muli %select_n3A, %mul3A_62 : i32
      %add3A_64 = arith.constant 2 : i32
      %add3A_65 = arith.addi %mul3A_63, %add3A_64 : i32
      %sub3A_66 = arith.constant 1 : i32
      %sub3A_67 = arith.subi %add3A_65, %sub3A_66 : i32
      %mul3A_68 = arith.constant 20480 : i32
      %mul3A_69 = arith.muli %sub3A_67, %mul3A_68 : i32
      "tpu.region"() ({
        %run_scoped3A = tpu.sem_alloc : memref<!tpu.dma_semaphore, #tpu.memory_space<semaphore_mem>>
        %dma_start3A = tpu.memref_slice %arg4[%mul3A_69] : memref<655360xf32, #tpu.memory_space<hbm>> -> memref<20480xf32, #tpu.memory_space<hbm>>
        %dma_start3A_108 = tpu.memref_slice %arg4[%mul3A_69] : memref<655360xf32, #tpu.memory_space<hbm>> -> memref<20480xf32, #tpu.memory_space<hbm>>
        tpu.enqueue_dma source(%dma_start3A_108 : memref<20480xf32, #tpu.memory_space<hbm>>) target(%arg8 : memref<20480xf32, #tpu.memory_space<vmem>>) target_semaphore(%run_scoped3A : memref<!tpu.dma_semaphore, #tpu.memory_space<semaphore_mem>>)
        %dma_wait3A = tpu.memref_slice %arg4[%mul3A_69] : memref<655360xf32, #tpu.memory_space<hbm>> -> memref<20480xf32, #tpu.memory_space<hbm>>
        %dma_wait3A_109 = tpu.memref_slice %arg4[%mul3A_69] : memref<655360xf32, #tpu.memory_space<hbm>> -> memref<20480xf32, #tpu.memory_space<hbm>>
        tpu.wait_dma2 semaphore(%run_scoped3A : memref<!tpu.dma_semaphore, #tpu.memory_space<semaphore_mem>>) src(%dma_wait3A_109 : memref<20480xf32, #tpu.memory_space<hbm>>) dst(%arg8 : memref<20480xf32, #tpu.memory_space<vmem>>)
        tpu.yield
      }) : () -> ()
      %scan3A_70 = arith.constant 0 : i32
      %scan3A_71 = arith.constant 0 : i32
      %scan3A_72 = arith.constant 50 : i32
      %scan3A_73 = arith.addi %scan3A_71, %scan3A_72 : i32
      %scan3A_74 = arith.constant 1 : i32
      scf.for %scan3A_108 = %scan3A_71 to %scan3A_73 step %scan3A_74  : i32 {
        %mul3A_109 = arith.constant 16 : i32
        %mul3A_110 = arith.muli %scan3A_108, %mul3A_109 : i32
        %get3A = arith.index_cast %mul3A_110 : i32 to index
        %get3A_111 = tpu.vector_load %arg7[%get3A] {strides = array<i32>} : memref<800xi32, #tpu.memory_space<vmem>>, vector<16xi32>,
        %gather3A = tpu.vector_load_idx %arg8[%get3A_111] : memref<20480xf32, #tpu.memory_space<vmem>>[vector<16xi32>], vector<16xf32>,
        %mul3A_112 = arith.constant 16 : i32
        %mul3A_113 = arith.muli %scan3A_108, %mul3A_112 : i32
        %add3A_114 = arith.constant 1600 : i32
        %add3A_115 = arith.addi %add3A_114, %mul3A_113 : i32
        %swap3A = arith.index_cast %add3A_115 : i32 to index
        %swap3A_116 = tpu.vector_load %arg9[%swap3A] {strides = array<i32>} : memref<4000xf32, #tpu.memory_space<vmem>>, vector<16xf32>,
        tpu.vector_store %arg9[%swap3A], %gather3A {strides = array<i32>} : memref<4000xf32, #tpu.memory_space<vmem>>, vector<16xf32>,
      }
      %scan3A_75 = arith.constant 50 : i32
      %mul3A_76 = arith.constant 4 : i32
      %mul3A_77 = arith.muli %select_n3A, %mul3A_76 : i32
      %add3A_78 = arith.constant 3 : i32
      %add3A_79 = arith.addi %mul3A_77, %add3A_78 : i32
      %sub3A_80 = arith.constant 1 : i32
      %sub3A_81 = arith.subi %add3A_79, %sub3A_80 : i32
      %mul3A_82 = arith.constant 20480 : i32
      %mul3A_83 = arith.muli %sub3A_81, %mul3A_82 : i32
      "tpu.region"() ({
        %run_scoped3A = tpu.sem_alloc : memref<!tpu.dma_semaphore, #tpu.memory_space<semaphore_mem>>
        %dma_start3A = tpu.memref_slice %arg4[%mul3A_83] : memref<655360xf32, #tpu.memory_space<hbm>> -> memref<20480xf32, #tpu.memory_space<hbm>>
        %dma_start3A_108 = tpu.memref_slice %arg4[%mul3A_83] : memref<655360xf32, #tpu.memory_space<hbm>> -> memref<20480xf32, #tpu.memory_space<hbm>>
        tpu.enqueue_dma source(%dma_start3A_108 : memref<20480xf32, #tpu.memory_space<hbm>>) target(%arg8 : memref<20480xf32, #tpu.memory_space<vmem>>) target_semaphore(%run_scoped3A : memref<!tpu.dma_semaphore, #tpu.memory_space<semaphore_mem>>)
        %dma_wait3A = tpu.memref_slice %arg4[%mul3A_83] : memref<655360xf32, #tpu.memory_space<hbm>> -> memref<20480xf32, #tpu.memory_space<hbm>>
        %dma_wait3A_109 = tpu.memref_slice %arg4[%mul3A_83] : memref<655360xf32, #tpu.memory_space<hbm>> -> memref<20480xf32, #tpu.memory_space<hbm>>
        tpu.wait_dma2 semaphore(%run_scoped3A : memref<!tpu.dma_semaphore, #tpu.memory_space<semaphore_mem>>) src(%dma_wait3A_109 : memref<20480xf32, #tpu.memory_space<hbm>>) dst(%arg8 : memref<20480xf32, #tpu.memory_space<vmem>>)
        tpu.yield
      }) : () -> ()
      %scan3A_84 = arith.constant 0 : i32
      %scan3A_85 = arith.constant 0 : i32
      %scan3A_86 = arith.constant 50 : i32
      %scan3A_87 = arith.addi %scan3A_85, %scan3A_86 : i32
      %scan3A_88 = arith.constant 1 : i32
      scf.for %scan3A_108 = %scan3A_85 to %scan3A_87 step %scan3A_88  : i32 {
        %mul3A_109 = arith.constant 16 : i32
        %mul3A_110 = arith.muli %scan3A_108, %mul3A_109 : i32
        %get3A = arith.index_cast %mul3A_110 : i32 to index
        %get3A_111 = tpu.vector_load %arg7[%get3A] {strides = array<i32>} : memref<800xi32, #tpu.memory_space<vmem>>, vector<16xi32>,
        %gather3A = tpu.vector_load_idx %arg8[%get3A_111] : memref<20480xf32, #tpu.memory_space<vmem>>[vector<16xi32>], vector<16xf32>,
        %mul3A_112 = arith.constant 16 : i32
        %mul3A_113 = arith.muli %scan3A_108, %mul3A_112 : i32
        %add3A_114 = arith.constant 2400 : i32
        %add3A_115 = arith.addi %add3A_114, %mul3A_113 : i32
        %swap3A = arith.index_cast %add3A_115 : i32 to index
        %swap3A_116 = tpu.vector_load %arg9[%swap3A] {strides = array<i32>} : memref<4000xf32, #tpu.memory_space<vmem>>, vector<16xf32>,
        tpu.vector_store %arg9[%swap3A], %gather3A {strides = array<i32>} : memref<4000xf32, #tpu.memory_space<vmem>>, vector<16xf32>,
      }
      %scan3A_89 = arith.constant 50 : i32
      %mul3A_90 = arith.constant 4 : i32
      %mul3A_91 = arith.muli %select_n3A, %mul3A_90 : i32
      %add3A_92 = arith.constant 4 : i32
      %add3A_93 = arith.addi %mul3A_91, %add3A_92 : i32
      %sub3A_94 = arith.constant 1 : i32
      %sub3A_95 = arith.subi %add3A_93, %sub3A_94 : i32
      %mul3A_96 = arith.constant 20480 : i32
      %mul3A_97 = arith.muli %sub3A_95, %mul3A_96 : i32
      "tpu.region"() ({
        %run_scoped3A = tpu.sem_alloc : memref<!tpu.dma_semaphore, #tpu.memory_space<semaphore_mem>>
        %dma_start3A = tpu.memref_slice %arg4[%mul3A_97] : memref<655360xf32, #tpu.memory_space<hbm>> -> memref<20480xf32, #tpu.memory_space<hbm>>
        %dma_start3A_108 = tpu.memref_slice %arg4[%mul3A_97] : memref<655360xf32, #tpu.memory_space<hbm>> -> memref<20480xf32, #tpu.memory_space<hbm>>
        tpu.enqueue_dma source(%dma_start3A_108 : memref<20480xf32, #tpu.memory_space<hbm>>) target(%arg8 : memref<20480xf32, #tpu.memory_space<vmem>>) target_semaphore(%run_scoped3A : memref<!tpu.dma_semaphore, #tpu.memory_space<semaphore_mem>>)
        %dma_wait3A = tpu.memref_slice %arg4[%mul3A_97] : memref<655360xf32, #tpu.memory_space<hbm>> -> memref<20480xf32, #tpu.memory_space<hbm>>
        %dma_wait3A_109 = tpu.memref_slice %arg4[%mul3A_97] : memref<655360xf32, #tpu.memory_space<hbm>> -> memref<20480xf32, #tpu.memory_space<hbm>>
        tpu.wait_dma2 semaphore(%run_scoped3A : memref<!tpu.dma_semaphore, #tpu.memory_space<semaphore_mem>>) src(%dma_wait3A_109 : memref<20480xf32, #tpu.memory_space<hbm>>) dst(%arg8 : memref<20480xf32, #tpu.memory_space<vmem>>)
        tpu.yield
      }) : () -> ()
      %scan3A_98 = arith.constant 0 : i32
      %scan3A_99 = arith.constant 0 : i32
      %scan3A_100 = arith.constant 50 : i32
      %scan3A_101 = arith.addi %scan3A_99, %scan3A_100 : i32
      %scan3A_102 = arith.constant 1 : i32
      scf.for %scan3A_108 = %scan3A_99 to %scan3A_101 step %scan3A_102  : i32 {
        %mul3A_109 = arith.constant 16 : i32
        %mul3A_110 = arith.muli %scan3A_108, %mul3A_109 : i32
        %get3A = arith.index_cast %mul3A_110 : i32 to index
        %get3A_111 = tpu.vector_load %arg7[%get3A] {strides = array<i32>} : memref<800xi32, #tpu.memory_space<vmem>>, vector<16xi32>,
        %gather3A = tpu.vector_load_idx %arg8[%get3A_111] : memref<20480xf32, #tpu.memory_space<vmem>>[vector<16xi32>], vector<16xf32>,
        %mul3A_112 = arith.constant 16 : i32
        %mul3A_113 = arith.muli %scan3A_108, %mul3A_112 : i32
        %add3A_114 = arith.constant 3200 : i32
        %add3A_115 = arith.addi %add3A_114, %mul3A_113 : i32
        %swap3A = arith.index_cast %add3A_115 : i32 to index
        %swap3A_116 = tpu.vector_load %arg9[%swap3A] {strides = array<i32>} : memref<4000xf32, #tpu.memory_space<vmem>>, vector<16xf32>,
        tpu.vector_store %arg9[%swap3A], %gather3A {strides = array<i32>} : memref<4000xf32, #tpu.memory_space<vmem>>, vector<16xf32>,
      }
      %scan3A_103 = arith.constant 50 : i32
      %mul3A_104 = arith.constant 5 : i32
      %mul3A_105 = arith.muli %add3A_9, %mul3A_104 : i32
      %mul3A_106 = arith.constant 800 : i32
      %mul3A_107 = arith.muli %mul3A_105, %mul3A_106 : i32
      "tpu.region"() ({
        %run_scoped3A = tpu.sem_alloc : memref<!tpu.dma_semaphore, #tpu.memory_space<semaphore_mem>>
        %dma_start3A = tpu.memref_slice %arg5[%mul3A_107] : memref<640000xf32, #tpu.memory_space<hbm>> -> memref<4000xf32, #tpu.memory_space<hbm>>
        %dma_start3A_108 = tpu.memref_slice %arg5[%mul3A_107] : memref<640000xf32, #tpu.memory_space<hbm>> -> memref<4000xf32, #tpu.memory_space<hbm>>
        tpu.enqueue_dma source(%arg9 : memref<4000xf32, #tpu.memory_space<vmem>>) target(%dma_start3A_108 : memref<4000xf32, #tpu.memory_space<hbm>>) target_semaphore(%run_scoped3A : memref<!tpu.dma_semaphore, #tpu.memory_space<semaphore_mem>>)
        %dma_wait3A = tpu.memref_slice %arg5[%mul3A_107] : memref<640000xf32, #tpu.memory_space<hbm>> -> memref<4000xf32, #tpu.memory_space<hbm>>
        %dma_wait3A_109 = tpu.memref_slice %arg5[%mul3A_107] : memref<640000xf32, #tpu.memory_space<hbm>> -> memref<4000xf32, #tpu.memory_space<hbm>>
        tpu.wait_dma2 semaphore(%run_scoped3A : memref<!tpu.dma_semaphore, #tpu.memory_space<semaphore_mem>>) src(%arg9 : memref<4000xf32, #tpu.memory_space<vmem>>) dst(%dma_wait3A_109 : memref<4000xf32, #tpu.memory_space<hbm>>)
        tpu.yield
      }) : () -> ()
    }
    %scan3A_5 = arith.constant 5 : i32
    return
  }
}

module attributes {stable_mosaic.version = 14 : i64} {
  func.func @_select_kernel(%arg0: i32, %arg1: i32, %arg2: memref<1x33x160x128xf32, #tpu.memory_space<vmem>>, %arg3: memref<1x1x160x128xi32, #tpu.memory_space<vmem>>, %arg4: memref<1x1x160x128xf32, #tpu.memory_space<vmem>>, %arg5: memref<1x4x160x128xf32, #tpu.memory_space<vmem>>) attributes {dimension_semantics = [#tpu.dimension_semantics<arbitrary>, #tpu.dimension_semantics<arbitrary>], iteration_bounds = array<i64: 8, 20>, scalar_prefetch = 0 : i64, scratch_operands = 0 : i64, tpu.core_type = #tpu.core_type<tc>, window_params = [{transform_indices = @transform_0, window_bounds = array<i64: 1, 33, 160, 128>}, {transform_indices = @transform_1, window_bounds = array<i64: 1, 1, 160, 128>}, {transform_indices = @transform_2, window_bounds = array<i64: 1, 1, 160, 128>}, {transform_indices = @transform_3, window_bounds = array<i64: 1, 4, 160, 128>}]} {
    %eq3A = arith.constant 0 : i32
    %eq3A_0 = arith.cmpi eq, %arg1, %eq3A : i32
    %convert_element_type3A = arith.extui %eq3A_0 : i1 to i32
    %cond3A = arith.constant 0 : i32
    %cond3A_1 = arith.cmpi ne, %convert_element_type3A, %cond3A : i32
    scf.if %cond3A_1 {
      %get3A_220 = arith.constant 0 : index
      %get3A_221 = arith.constant 21 : index
      %get3A_222 = arith.constant 0 : index
      %get3A_223 = arith.constant 0 : index
      %get3A_224 = vector.load %arg2[%get3A_220, %get3A_221, %get3A_222, %get3A_223] : memref<1x33x160x128xf32, #tpu.memory_space<vmem>>, vector<1x1x160x128xf32>
      %get3A_225 = vector.shape_cast %get3A_224 : vector<1x1x160x128xf32> to vector<160x128xf32>
      %get3A_226 = arith.constant 0 : index
      %get3A_227 = arith.constant 22 : index
      %get3A_228 = arith.constant 0 : index
      %get3A_229 = arith.constant 0 : index
      %get3A_230 = vector.load %arg2[%get3A_226, %get3A_227, %get3A_228, %get3A_229] : memref<1x33x160x128xf32, #tpu.memory_space<vmem>>, vector<1x1x160x128xf32>
      %get3A_231 = vector.shape_cast %get3A_230 : vector<1x1x160x128xf32> to vector<160x128xf32>
      %get3A_232 = arith.constant 0 : index
      %get3A_233 = arith.constant 23 : index
      %get3A_234 = arith.constant 0 : index
      %get3A_235 = arith.constant 0 : index
      %get3A_236 = vector.load %arg2[%get3A_232, %get3A_233, %get3A_234, %get3A_235] : memref<1x33x160x128xf32, #tpu.memory_space<vmem>>, vector<1x1x160x128xf32>
      %get3A_237 = vector.shape_cast %get3A_236 : vector<1x1x160x128xf32> to vector<160x128xf32>
      %get3A_238 = arith.constant 0 : index
      %get3A_239 = arith.constant 24 : index
      %get3A_240 = arith.constant 0 : index
      %get3A_241 = arith.constant 0 : index
      %get3A_242 = vector.load %arg2[%get3A_238, %get3A_239, %get3A_240, %get3A_241] : memref<1x33x160x128xf32, #tpu.memory_space<vmem>>, vector<1x1x160x128xf32>
      %get3A_243 = vector.shape_cast %get3A_242 : vector<1x1x160x128xf32> to vector<160x128xf32>
      %get3A_244 = arith.constant 0 : index
      %get3A_245 = arith.constant 25 : index
      %get3A_246 = arith.constant 0 : index
      %get3A_247 = arith.constant 0 : index
      %get3A_248 = vector.load %arg2[%get3A_244, %get3A_245, %get3A_246, %get3A_247] : memref<1x33x160x128xf32, #tpu.memory_space<vmem>>, vector<1x1x160x128xf32>
      %get3A_249 = vector.shape_cast %get3A_248 : vector<1x1x160x128xf32> to vector<160x128xf32>
      %get3A_250 = arith.constant 0 : index
      %get3A_251 = arith.constant 26 : index
      %get3A_252 = arith.constant 0 : index
      %get3A_253 = arith.constant 0 : index
      %get3A_254 = vector.load %arg2[%get3A_250, %get3A_251, %get3A_252, %get3A_253] : memref<1x33x160x128xf32, #tpu.memory_space<vmem>>, vector<1x1x160x128xf32>
      %get3A_255 = vector.shape_cast %get3A_254 : vector<1x1x160x128xf32> to vector<160x128xf32>
      %get3A_256 = arith.constant 0 : index
      %get3A_257 = arith.constant 27 : index
      %get3A_258 = arith.constant 0 : index
      %get3A_259 = arith.constant 0 : index
      %get3A_260 = vector.load %arg2[%get3A_256, %get3A_257, %get3A_258, %get3A_259] : memref<1x33x160x128xf32, #tpu.memory_space<vmem>>, vector<1x1x160x128xf32>
      %get3A_261 = vector.shape_cast %get3A_260 : vector<1x1x160x128xf32> to vector<160x128xf32>
      %get3A_262 = arith.constant 0 : index
      %get3A_263 = arith.constant 28 : index
      %get3A_264 = arith.constant 0 : index
      %get3A_265 = arith.constant 0 : index
      %get3A_266 = vector.load %arg2[%get3A_262, %get3A_263, %get3A_264, %get3A_265] : memref<1x33x160x128xf32, #tpu.memory_space<vmem>>, vector<1x1x160x128xf32>
      %get3A_267 = vector.shape_cast %get3A_266 : vector<1x1x160x128xf32> to vector<160x128xf32>
      %get3A_268 = arith.constant 0 : index
      %get3A_269 = arith.constant 29 : index
      %get3A_270 = arith.constant 0 : index
      %get3A_271 = arith.constant 0 : index
      %get3A_272 = vector.load %arg2[%get3A_268, %get3A_269, %get3A_270, %get3A_271] : memref<1x33x160x128xf32, #tpu.memory_space<vmem>>, vector<1x1x160x128xf32>
      %get3A_273 = vector.shape_cast %get3A_272 : vector<1x1x160x128xf32> to vector<160x128xf32>
      %get3A_274 = arith.constant 0 : index
      %get3A_275 = arith.constant 30 : index
      %get3A_276 = arith.constant 0 : index
      %get3A_277 = arith.constant 0 : index
      %get3A_278 = vector.load %arg2[%get3A_274, %get3A_275, %get3A_276, %get3A_277] : memref<1x33x160x128xf32, #tpu.memory_space<vmem>>, vector<1x1x160x128xf32>
      %get3A_279 = vector.shape_cast %get3A_278 : vector<1x1x160x128xf32> to vector<160x128xf32>
      %get3A_280 = arith.constant 0 : index
      %get3A_281 = arith.constant 31 : index
      %get3A_282 = arith.constant 0 : index
      %get3A_283 = arith.constant 0 : index
      %get3A_284 = vector.load %arg2[%get3A_280, %get3A_281, %get3A_282, %get3A_283] : memref<1x33x160x128xf32, #tpu.memory_space<vmem>>, vector<1x1x160x128xf32>
      %get3A_285 = vector.shape_cast %get3A_284 : vector<1x1x160x128xf32> to vector<160x128xf32>
      %get3A_286 = arith.constant 0 : index
      %get3A_287 = arith.constant 32 : index
      %get3A_288 = arith.constant 0 : index
      %get3A_289 = arith.constant 0 : index
      %get3A_290 = vector.load %arg2[%get3A_286, %get3A_287, %get3A_288, %get3A_289] : memref<1x33x160x128xf32, #tpu.memory_space<vmem>>, vector<1x1x160x128xf32>
      %get3A_291 = vector.shape_cast %get3A_290 : vector<1x1x160x128xf32> to vector<160x128xf32>
      %sub3A_292 = arith.subf %get3A_261, %get3A_249 : vector<160x128xf32>
      %sub3A_293 = arith.subf %get3A_267, %get3A_255 : vector<160x128xf32>
      %add3A_294 = arith.addf %get3A_261, %get3A_249 : vector<160x128xf32>
      %mul3A = arith.constant 5.000000e-01 : f32
      %mul3A_295 = vector.broadcast %mul3A : f32 to vector<160x128xf32>
      %mul3A_296 = arith.mulf %add3A_294, %mul3A_295 : vector<160x128xf32>
      %add3A_297 = arith.addf %get3A_267, %get3A_255 : vector<160x128xf32>
      %mul3A_298 = arith.constant 5.000000e-01 : f32
      %mul3A_299 = vector.broadcast %mul3A_298 : f32 to vector<160x128xf32>
      %mul3A_300 = arith.mulf %add3A_297, %mul3A_299 : vector<160x128xf32>
      %mul3A_301 = arith.mulf %get3A_225, %get3A_273 : vector<160x128xf32>
      %mul3A_302 = arith.mulf %mul3A_301, %sub3A_292 : vector<160x128xf32>
      %add3A_303 = arith.addf %mul3A_302, %mul3A_296 : vector<160x128xf32>
      %mul3A_304 = arith.mulf %get3A_231, %get3A_279 : vector<160x128xf32>
      %mul3A_305 = arith.mulf %mul3A_304, %sub3A_293 : vector<160x128xf32>
      %add3A_306 = arith.addf %mul3A_305, %mul3A_300 : vector<160x128xf32>
      %mul3A_307 = arith.mulf %get3A_237, %get3A_285 : vector<160x128xf32>
      %exp3A = math.exp %mul3A_307 : vector<160x128xf32>
      %mul3A_308 = arith.mulf %exp3A, %sub3A_292 : vector<160x128xf32>
      %mul3A_309 = arith.mulf %get3A_243, %get3A_291 : vector<160x128xf32>
      %exp3A_310 = math.exp %mul3A_309 : vector<160x128xf32>
      %mul3A_311 = arith.mulf %exp3A_310, %sub3A_293 : vector<160x128xf32>
      %mul3A_312 = arith.constant 5.000000e-01 : f32
      %mul3A_313 = vector.broadcast %mul3A_312 : f32 to vector<160x128xf32>
      %mul3A_314 = arith.mulf %mul3A_313, %mul3A_308 : vector<160x128xf32>
      %sub3A_315 = arith.subf %add3A_303, %mul3A_314 : vector<160x128xf32>
      %mul3A_316 = arith.constant 5.120000e+02 : f32
      %mul3A_317 = vector.broadcast %mul3A_316 : f32 to vector<160x128xf32>
      %mul3A_318 = arith.mulf %sub3A_315, %mul3A_317 : vector<160x128xf32>
      %swap3A_319 = arith.constant 0 : index
      %swap3A_320 = arith.constant 0 : index
      %swap3A_321 = arith.constant 0 : index
      %swap3A_322 = arith.constant 0 : index
      %swap3A_323 = vector.load %arg5[%swap3A_319, %swap3A_320, %swap3A_321, %swap3A_322] : memref<1x4x160x128xf32, #tpu.memory_space<vmem>>, vector<1x1x160x128xf32>
      %swap3A_324 = vector.shape_cast %swap3A_323 : vector<1x1x160x128xf32> to vector<160x128xf32>
      %swap3A_325 = vector.shape_cast %mul3A_318 : vector<160x128xf32> to vector<1x1x160x128xf32>
      tpu.vector_store %arg5[%swap3A_319, %swap3A_320, %swap3A_321, %swap3A_322], %swap3A_325 {strides = array<i32>} : memref<1x4x160x128xf32, #tpu.memory_space<vmem>>, vector<1x1x160x128xf32>,
      %mul3A_326 = arith.constant 5.000000e-01 : f32
      %mul3A_327 = vector.broadcast %mul3A_326 : f32 to vector<160x128xf32>
      %mul3A_328 = arith.mulf %mul3A_327, %mul3A_311 : vector<160x128xf32>
      %sub3A_329 = arith.subf %add3A_306, %mul3A_328 : vector<160x128xf32>
      %mul3A_330 = arith.constant 5.120000e+02 : f32
      %mul3A_331 = vector.broadcast %mul3A_330 : f32 to vector<160x128xf32>
      %mul3A_332 = arith.mulf %sub3A_329, %mul3A_331 : vector<160x128xf32>
      %swap3A_333 = arith.constant 0 : index
      %swap3A_334 = arith.constant 1 : index
      %swap3A_335 = arith.constant 0 : index
      %swap3A_336 = arith.constant 0 : index
      %swap3A_337 = vector.load %arg5[%swap3A_333, %swap3A_334, %swap3A_335, %swap3A_336] : memref<1x4x160x128xf32, #tpu.memory_space<vmem>>, vector<1x1x160x128xf32>
      %swap3A_338 = vector.shape_cast %swap3A_337 : vector<1x1x160x128xf32> to vector<160x128xf32>
      %swap3A_339 = vector.shape_cast %mul3A_332 : vector<160x128xf32> to vector<1x1x160x128xf32>
      tpu.vector_store %arg5[%swap3A_333, %swap3A_334, %swap3A_335, %swap3A_336], %swap3A_339 {strides = array<i32>} : memref<1x4x160x128xf32, #tpu.memory_space<vmem>>, vector<1x1x160x128xf32>,
      %mul3A_340 = arith.constant 5.000000e-01 : f32
      %mul3A_341 = vector.broadcast %mul3A_340 : f32 to vector<160x128xf32>
      %mul3A_342 = arith.mulf %mul3A_341, %mul3A_308 : vector<160x128xf32>
      %add3A_343 = arith.addf %add3A_303, %mul3A_342 : vector<160x128xf32>
      %mul3A_344 = arith.constant 5.120000e+02 : f32
      %mul3A_345 = vector.broadcast %mul3A_344 : f32 to vector<160x128xf32>
      %mul3A_346 = arith.mulf %add3A_343, %mul3A_345 : vector<160x128xf32>
      %swap3A_347 = arith.constant 0 : index
      %swap3A_348 = arith.constant 2 : index
      %swap3A_349 = arith.constant 0 : index
      %swap3A_350 = arith.constant 0 : index
      %swap3A_351 = vector.load %arg5[%swap3A_347, %swap3A_348, %swap3A_349, %swap3A_350] : memref<1x4x160x128xf32, #tpu.memory_space<vmem>>, vector<1x1x160x128xf32>
      %swap3A_352 = vector.shape_cast %swap3A_351 : vector<1x1x160x128xf32> to vector<160x128xf32>
      %swap3A_353 = vector.shape_cast %mul3A_346 : vector<160x128xf32> to vector<1x1x160x128xf32>
      tpu.vector_store %arg5[%swap3A_347, %swap3A_348, %swap3A_349, %swap3A_350], %swap3A_353 {strides = array<i32>} : memref<1x4x160x128xf32, #tpu.memory_space<vmem>>, vector<1x1x160x128xf32>,
      %mul3A_354 = arith.constant 5.000000e-01 : f32
      %mul3A_355 = vector.broadcast %mul3A_354 : f32 to vector<160x128xf32>
      %mul3A_356 = arith.mulf %mul3A_355, %mul3A_311 : vector<160x128xf32>
      %add3A_357 = arith.addf %add3A_306, %mul3A_356 : vector<160x128xf32>
      %mul3A_358 = arith.constant 5.120000e+02 : f32
      %mul3A_359 = vector.broadcast %mul3A_358 : f32 to vector<160x128xf32>
      %mul3A_360 = arith.mulf %add3A_357, %mul3A_359 : vector<160x128xf32>
      %swap3A_361 = arith.constant 0 : index
      %swap3A_362 = arith.constant 3 : index
      %swap3A_363 = arith.constant 0 : index
      %swap3A_364 = arith.constant 0 : index
      %swap3A_365 = vector.load %arg5[%swap3A_361, %swap3A_362, %swap3A_363, %swap3A_364] : memref<1x4x160x128xf32, #tpu.memory_space<vmem>>, vector<1x1x160x128xf32>
      %swap3A_366 = vector.shape_cast %swap3A_365 : vector<1x1x160x128xf32> to vector<160x128xf32>
      %swap3A_367 = vector.shape_cast %mul3A_360 : vector<160x128xf32> to vector<1x1x160x128xf32>
      tpu.vector_store %arg5[%swap3A_361, %swap3A_362, %swap3A_363, %swap3A_364], %swap3A_367 {strides = array<i32>} : memref<1x4x160x128xf32, #tpu.memory_space<vmem>>, vector<1x1x160x128xf32>,
    } else {
    }
    %add3A = arith.constant 1 : i32
    %add3A_2 = arith.addi %add3A, %arg1 : i32
    %get3A = arith.constant 0 : index
    %get3A_3 = arith.index_cast %add3A_2 : i32 to index
    %get3A_4 = arith.constant 0 : index
    %get3A_5 = arith.constant 0 : index
    %get3A_6 = vector.load %arg2[%get3A, %get3A_3, %get3A_4, %get3A_5] : memref<1x33x160x128xf32, #tpu.memory_space<vmem>>, vector<1x1x160x128xf32>
    %get3A_7 = vector.shape_cast %get3A_6 : vector<1x1x160x128xf32> to vector<1x160x128xf32>
    %reshape3A = vector.shape_cast %get3A_7 : vector<1x160x128xf32> to vector<160x128xf32>
    %gt3A = arith.constant 0.00999999977 : f32
    %gt3A_8 = vector.broadcast %gt3A : f32 to vector<160x128xf32>
    %gt3A_9 = arith.cmpf ogt, %reshape3A, %gt3A_8 : vector<160x128xf32>
    %jit3A = arith.constant 0xFF800000 : f32
    %broadcast_in_dim3A = vector.broadcast %jit3A : f32 to vector<160x128xf32>
    %select_n3A = arith.select %gt3A_9, %reshape3A, %broadcast_in_dim3A : vector<160x128xi1>, vector<160x128xf32>
    %swap3A = arith.constant 0 : index
    %swap3A_10 = arith.constant 0 : index
    %swap3A_11 = arith.constant 0 : index
    %swap3A_12 = arith.constant 0 : index
    %swap3A_13 = vector.load %arg4[%swap3A, %swap3A_10, %swap3A_11, %swap3A_12] : memref<1x1x160x128xf32, #tpu.memory_space<vmem>>, vector<1x1x160x128xf32>
    %swap3A_14 = vector.shape_cast %swap3A_13 : vector<1x1x160x128xf32> to vector<160x128xf32>
    %swap3A_15 = vector.shape_cast %select_n3A : vector<160x128xf32> to vector<1x1x160x128xf32>
    tpu.vector_store %arg4[%swap3A, %swap3A_10, %swap3A_11, %swap3A_12], %swap3A_15 {strides = array<i32>} : memref<1x1x160x128xf32, #tpu.memory_space<vmem>>, vector<1x1x160x128xf32>,
    %bitcast_convert_type3A = tpu.bitcast %select_n3A : vector<160x128xf32> -> vector<160x128xi32>
    %gt3A_16 = arith.constant 0.00999999977 : f32
    %gt3A_17 = vector.broadcast %gt3A_16 : f32 to vector<160x128xf32>
    %gt3A_18 = arith.cmpf ogt, %reshape3A, %gt3A_17 : vector<160x128xf32>
    %convert_element_type3A_19 = arith.extui %gt3A_18 : vector<160x128xi1> to vector<160x128xi32>
    %reduce_sum3A = vector.shape_cast %convert_element_type3A_19 : vector<160x128xi32> to vector<1x160x128xi32>
    %reduce_sum3A_20 = arith.constant dense<0> : vector<1xi32>
    %reduce_sum3A_21 = vector.multi_reduction <add>, %reduce_sum3A, %reduce_sum3A_20 [1, 2] : vector<1x160x128xi32> to vector<1xi32>
    %reduce_sum3A_22 = vector.shape_cast %reduce_sum3A_21 : vector<1xi32> to vector<1x1x1xi32>
    %reduce_sum3A_23 = vector.extract %reduce_sum3A_22[0, 0, 0] : i32 from vector<1x1x1xi32>
    %min3A = arith.constant 800 : i32
    %min3A_24 = arith.minsi %min3A, %reduce_sum3A_23 : i32
    %scan3A = arith.constant 0 : i32
    %scan3A_25 = arith.constant 2139095040 : i32
    %scan3A_26 = arith.constant 0 : i32
    %scan3A_27 = arith.constant 31 : i32
    %scan3A_28 = arith.addi %scan3A_26, %scan3A_27 : i32
    %scan3A_29 = arith.constant 1 : i32
    %scan3A_30:2 = scf.for %scan3A_220 = %scan3A_26 to %scan3A_28 step %scan3A_29 iter_args(%scan3A_221 = %scan3A, %scan3A_222 = %scan3A_25) -> (i32, i32)  : i32 {
      %sub3A_223 = arith.subi %scan3A_222, %scan3A_221 : i32
      %jit3A_224 = arith.constant 2 : i32
      %div3A = arith.divsi %sub3A_223, %jit3A_224 : i32
      %sign3A = arith.constant 0 : i32
      %sign3A_225 = arith.cmpi sgt, %sub3A_223, %sign3A : i32
      %sign3A_226 = arith.extui %sign3A_225 : i1 to i32
      %sign3A_227 = arith.constant 0 : i32
      %sign3A_228 = arith.cmpi slt, %sub3A_223, %sign3A_227 : i32
      %sign3A_229 = arith.extui %sign3A_228 : i1 to i32
      %sign3A_230 = arith.subi %sign3A_226, %sign3A_229 : i32
      %sign3A_231 = arith.constant 0 : i32
      %sign3A_232 = arith.cmpi sgt, %jit3A_224, %sign3A_231 : i32
      %sign3A_233 = arith.extui %sign3A_232 : i1 to i32
      %sign3A_234 = arith.constant 0 : i32
      %sign3A_235 = arith.cmpi slt, %jit3A_224, %sign3A_234 : i32
      %sign3A_236 = arith.extui %sign3A_235 : i1 to i32
      %sign3A_237 = arith.subi %sign3A_233, %sign3A_236 : i32
      %ne3A = arith.cmpi ne, %sign3A_230, %sign3A_237 : i32
      %rem3A = arith.remsi %sub3A_223, %jit3A_224 : i32
      %ne3A_238 = arith.constant 0 : i32
      %ne3A_239 = arith.cmpi ne, %rem3A, %ne3A_238 : i32
      %and3A_240 = arith.andi %ne3A, %ne3A_239 : i1
      %sub3A_241 = arith.constant 1 : i32
      %sub3A_242 = arith.subi %div3A, %sub3A_241 : i32
      %select_n3A_243 = arith.select %and3A_240, %sub3A_242, %div3A : i32
      %add3A_244 = arith.addi %scan3A_221, %select_n3A_243 : i32
      %gt3A_245 = vector.broadcast %add3A_244 : i32 to vector<160x128xi32>
      %gt3A_246 = arith.cmpi sgt, %bitcast_convert_type3A, %gt3A_245 : vector<160x128xi32>
      %convert_element_type3A_247 = arith.extui %gt3A_246 : vector<160x128xi1> to vector<160x128xi32>
      %reduce_sum3A_248 = vector.shape_cast %convert_element_type3A_247 : vector<160x128xi32> to vector<1x160x128xi32>
      %reduce_sum3A_249 = arith.constant dense<0> : vector<1xi32>
      %reduce_sum3A_250 = vector.multi_reduction <add>, %reduce_sum3A_248, %reduce_sum3A_249 [1, 2] : vector<1x160x128xi32> to vector<1xi32>
      %reduce_sum3A_251 = vector.shape_cast %reduce_sum3A_250 : vector<1xi32> to vector<1x1x1xi32>
      %reduce_sum3A_252 = vector.extract %reduce_sum3A_251[0, 0, 0] : i32 from vector<1x1x1xi32>
      %ge3A = arith.cmpi sge, %reduce_sum3A_252, %min3A_24 : i32
      %select_n3A_253 = arith.select %ge3A, %add3A_244, %scan3A_221 : i32
      %select_n3A_254 = arith.select %ge3A, %scan3A_222, %add3A_244 : i32
      scf.yield %select_n3A_253, %select_n3A_254 : i32, i32
    }
    %gt3A_31 = vector.broadcast %scan3A_30#1 : i32 to vector<160x128xi32>
    %gt3A_32 = arith.cmpi sgt, %bitcast_convert_type3A, %gt3A_31 : vector<160x128xi32>
    %eq3A_33 = vector.broadcast %scan3A_30#1 : i32 to vector<160x128xi32>
    %eq3A_34 = arith.cmpi eq, %bitcast_convert_type3A, %eq3A_33 : vector<160x128xi32>
    %convert_element_type3A_35 = arith.extui %gt3A_32 : vector<160x128xi1> to vector<160x128xi32>
    %reduce_sum3A_36 = vector.shape_cast %convert_element_type3A_35 : vector<160x128xi32> to vector<1x160x128xi32>
    %reduce_sum3A_37 = arith.constant dense<0> : vector<1xi32>
    %reduce_sum3A_38 = vector.multi_reduction <add>, %reduce_sum3A_36, %reduce_sum3A_37 [1, 2] : vector<1x160x128xi32> to vector<1xi32>
    %reduce_sum3A_39 = vector.shape_cast %reduce_sum3A_38 : vector<1xi32> to vector<1x1x1xi32>
    %reduce_sum3A_40 = vector.extract %reduce_sum3A_39[0, 0, 0] : i32 from vector<1x1x1xi32>
    %sub3A = arith.subi %min3A_24, %reduce_sum3A_40 : i32
    %convert_element_type3A_41 = arith.sitofp %sub3A : i32 to f32
    %convert_element_type3A_42 = arith.extui %eq3A_34 : vector<160x128xi1> to vector<160x128xi32>
    %convert_element_type3A_43 = arith.sitofp %convert_element_type3A_42 : vector<160x128xi32> to vector<160x128xf32>
    %broadcast_in_dim3A_44 = arith.constant 0.000000e+00 : f32
    %broadcast_in_dim3A_45 = vector.broadcast %broadcast_in_dim3A_44 : f32 to vector<160x1xf32>
    %slice3A = vector.extract_strided_slice %convert_element_type3A_43 {offsets = [0, 0], sizes = [160, 127], strides = [1, 1]} : vector<160x128xf32> to vector<160x127xf32>
    %concatenate3A = tpu.concatenate %broadcast_in_dim3A_45, %slice3A in 1 : vector<160x1xf32>, vector<160x127xf32> -> vector<160x128xf32>
    %add3A_46 = arith.addf %convert_element_type3A_43, %concatenate3A : vector<160x128xf32>
    %broadcast_in_dim3A_47 = arith.constant 0.000000e+00 : f32
    %broadcast_in_dim3A_48 = vector.broadcast %broadcast_in_dim3A_47 : f32 to vector<160x2xf32>
    %slice3A_49 = vector.extract_strided_slice %add3A_46 {offsets = [0, 0], sizes = [160, 126], strides = [1, 1]} : vector<160x128xf32> to vector<160x126xf32>
    %concatenate3A_50 = tpu.concatenate %broadcast_in_dim3A_48, %slice3A_49 in 1 : vector<160x2xf32>, vector<160x126xf32> -> vector<160x128xf32>
    %add3A_51 = arith.addf %add3A_46, %concatenate3A_50 : vector<160x128xf32>
    %broadcast_in_dim3A_52 = arith.constant 0.000000e+00 : f32
    %broadcast_in_dim3A_53 = vector.broadcast %broadcast_in_dim3A_52 : f32 to vector<160x4xf32>
    %slice3A_54 = vector.extract_strided_slice %add3A_51 {offsets = [0, 0], sizes = [160, 124], strides = [1, 1]} : vector<160x128xf32> to vector<160x124xf32>
    %concatenate3A_55 = tpu.concatenate %broadcast_in_dim3A_53, %slice3A_54 in 1 : vector<160x4xf32>, vector<160x124xf32> -> vector<160x128xf32>
    %add3A_56 = arith.addf %add3A_51, %concatenate3A_55 : vector<160x128xf32>
    %broadcast_in_dim3A_57 = arith.constant 0.000000e+00 : f32
    %broadcast_in_dim3A_58 = vector.broadcast %broadcast_in_dim3A_57 : f32 to vector<160x8xf32>
    %slice3A_59 = vector.extract_strided_slice %add3A_56 {offsets = [0, 0], sizes = [160, 120], strides = [1, 1]} : vector<160x128xf32> to vector<160x120xf32>
    %concatenate3A_60 = tpu.concatenate %broadcast_in_dim3A_58, %slice3A_59 in 1 : vector<160x8xf32>, vector<160x120xf32> -> vector<160x128xf32>
    %add3A_61 = arith.addf %add3A_56, %concatenate3A_60 : vector<160x128xf32>
    %broadcast_in_dim3A_62 = arith.constant 0.000000e+00 : f32
    %broadcast_in_dim3A_63 = vector.broadcast %broadcast_in_dim3A_62 : f32 to vector<160x16xf32>
    %slice3A_64 = vector.extract_strided_slice %add3A_61 {offsets = [0, 0], sizes = [160, 112], strides = [1, 1]} : vector<160x128xf32> to vector<160x112xf32>
    %concatenate3A_65 = tpu.concatenate %broadcast_in_dim3A_63, %slice3A_64 in 1 : vector<160x16xf32>, vector<160x112xf32> -> vector<160x128xf32>
    %add3A_66 = arith.addf %add3A_61, %concatenate3A_65 : vector<160x128xf32>
    %broadcast_in_dim3A_67 = arith.constant 0.000000e+00 : f32
    %broadcast_in_dim3A_68 = vector.broadcast %broadcast_in_dim3A_67 : f32 to vector<160x32xf32>
    %slice3A_69 = vector.extract_strided_slice %add3A_66 {offsets = [0, 0], sizes = [160, 96], strides = [1, 1]} : vector<160x128xf32> to vector<160x96xf32>
    %concatenate3A_70 = tpu.concatenate %broadcast_in_dim3A_68, %slice3A_69 in 1 : vector<160x32xf32>, vector<160x96xf32> -> vector<160x128xf32>
    %add3A_71 = arith.addf %add3A_66, %concatenate3A_70 : vector<160x128xf32>
    %broadcast_in_dim3A_72 = arith.constant 0.000000e+00 : f32
    %broadcast_in_dim3A_73 = vector.broadcast %broadcast_in_dim3A_72 : f32 to vector<160x64xf32>
    %slice3A_74 = vector.extract_strided_slice %add3A_71 {offsets = [0, 0], sizes = [160, 64], strides = [1, 1]} : vector<160x128xf32> to vector<160x64xf32>
    %concatenate3A_75 = tpu.concatenate %broadcast_in_dim3A_73, %slice3A_74 in 1 : vector<160x64xf32>, vector<160x64xf32> -> vector<160x128xf32>
    %add3A_76 = arith.addf %add3A_71, %concatenate3A_75 : vector<160x128xf32>
    %reduce_sum3A_77 = arith.constant dense<0.000000e+00> : vector<160xf32>
    %reduce_sum3A_78 = vector.multi_reduction <add>, %convert_element_type3A_43, %reduce_sum3A_77 [1] : vector<160x128xf32> to vector<160xf32>
    %broadcast_in_dim3A_79 = vector.shape_cast %reduce_sum3A_78 : vector<160xf32> to vector<160x1xf32>
    %broadcast_in_dim3A_80 = arith.constant 0.000000e+00 : f32
    %broadcast_in_dim3A_81 = vector.broadcast %broadcast_in_dim3A_80 : f32 to vector<1x1xf32>
    %slice3A_82 = vector.extract_strided_slice %broadcast_in_dim3A_79 {offsets = [0, 0], sizes = [159, 1], strides = [1, 1]} : vector<160x1xf32> to vector<159x1xf32>
    %concatenate3A_83 = tpu.concatenate %broadcast_in_dim3A_81, %slice3A_82 in 0 : vector<1x1xf32>, vector<159x1xf32> -> vector<160x1xf32>
    %add3A_84 = arith.addf %broadcast_in_dim3A_79, %concatenate3A_83 : vector<160x1xf32>
    %broadcast_in_dim3A_85 = arith.constant 0.000000e+00 : f32
    %broadcast_in_dim3A_86 = vector.broadcast %broadcast_in_dim3A_85 : f32 to vector<2x1xf32>
    %slice3A_87 = vector.extract_strided_slice %add3A_84 {offsets = [0, 0], sizes = [158, 1], strides = [1, 1]} : vector<160x1xf32> to vector<158x1xf32>
    %concatenate3A_88 = tpu.concatenate %broadcast_in_dim3A_86, %slice3A_87 in 0 : vector<2x1xf32>, vector<158x1xf32> -> vector<160x1xf32>
    %add3A_89 = arith.addf %add3A_84, %concatenate3A_88 : vector<160x1xf32>
    %broadcast_in_dim3A_90 = arith.constant 0.000000e+00 : f32
    %broadcast_in_dim3A_91 = vector.broadcast %broadcast_in_dim3A_90 : f32 to vector<4x1xf32>
    %slice3A_92 = vector.extract_strided_slice %add3A_89 {offsets = [0, 0], sizes = [156, 1], strides = [1, 1]} : vector<160x1xf32> to vector<156x1xf32>
    %concatenate3A_93 = tpu.concatenate %broadcast_in_dim3A_91, %slice3A_92 in 0 : vector<4x1xf32>, vector<156x1xf32> -> vector<160x1xf32>
    %add3A_94 = arith.addf %add3A_89, %concatenate3A_93 : vector<160x1xf32>
    %broadcast_in_dim3A_95 = arith.constant 0.000000e+00 : f32
    %broadcast_in_dim3A_96 = vector.broadcast %broadcast_in_dim3A_95 : f32 to vector<8x1xf32>
    %slice3A_97 = vector.extract_strided_slice %add3A_94 {offsets = [0, 0], sizes = [152, 1], strides = [1, 1]} : vector<160x1xf32> to vector<152x1xf32>
    %concatenate3A_98 = tpu.concatenate %broadcast_in_dim3A_96, %slice3A_97 in 0 : vector<8x1xf32>, vector<152x1xf32> -> vector<160x1xf32>
    %add3A_99 = arith.addf %add3A_94, %concatenate3A_98 : vector<160x1xf32>
    %broadcast_in_dim3A_100 = arith.constant 0.000000e+00 : f32
    %broadcast_in_dim3A_101 = vector.broadcast %broadcast_in_dim3A_100 : f32 to vector<16x1xf32>
    %slice3A_102 = vector.extract_strided_slice %add3A_99 {offsets = [0, 0], sizes = [144, 1], strides = [1, 1]} : vector<160x1xf32> to vector<144x1xf32>
    %concatenate3A_103 = tpu.concatenate %broadcast_in_dim3A_101, %slice3A_102 in 0 : vector<16x1xf32>, vector<144x1xf32> -> vector<160x1xf32>
    %add3A_104 = arith.addf %add3A_99, %concatenate3A_103 : vector<160x1xf32>
    %broadcast_in_dim3A_105 = arith.constant 0.000000e+00 : f32
    %broadcast_in_dim3A_106 = vector.broadcast %broadcast_in_dim3A_105 : f32 to vector<32x1xf32>
    %slice3A_107 = vector.extract_strided_slice %add3A_104 {offsets = [0, 0], sizes = [128, 1], strides = [1, 1]} : vector<160x1xf32> to vector<128x1xf32>
    %concatenate3A_108 = tpu.concatenate %broadcast_in_dim3A_106, %slice3A_107 in 0 : vector<32x1xf32>, vector<128x1xf32> -> vector<160x1xf32>
    %add3A_109 = arith.addf %add3A_104, %concatenate3A_108 : vector<160x1xf32>
    %broadcast_in_dim3A_110 = arith.constant 0.000000e+00 : f32
    %broadcast_in_dim3A_111 = vector.broadcast %broadcast_in_dim3A_110 : f32 to vector<64x1xf32>
    %slice3A_112 = vector.extract_strided_slice %add3A_109 {offsets = [0, 0], sizes = [96, 1], strides = [1, 1]} : vector<160x1xf32> to vector<96x1xf32>
    %concatenate3A_113 = tpu.concatenate %broadcast_in_dim3A_111, %slice3A_112 in 0 : vector<64x1xf32>, vector<96x1xf32> -> vector<160x1xf32>
    %add3A_114 = arith.addf %add3A_109, %concatenate3A_113 : vector<160x1xf32>
    %broadcast_in_dim3A_115 = arith.constant 0.000000e+00 : f32
    %broadcast_in_dim3A_116 = vector.broadcast %broadcast_in_dim3A_115 : f32 to vector<128x1xf32>
    %slice3A_117 = vector.extract_strided_slice %add3A_114 {offsets = [0, 0], sizes = [32, 1], strides = [1, 1]} : vector<160x1xf32> to vector<32x1xf32>
    %concatenate3A_118 = tpu.concatenate %broadcast_in_dim3A_116, %slice3A_117 in 0 : vector<128x1xf32>, vector<32x1xf32> -> vector<160x1xf32>
    %add3A_119 = arith.addf %add3A_114, %concatenate3A_118 : vector<160x1xf32>
    %sub3A_120 = arith.subf %add3A_76, %convert_element_type3A_43 : vector<160x128xf32>
    %sub3A_121 = arith.subf %add3A_119, %broadcast_in_dim3A_79 : vector<160x1xf32>
    %add3A_122 = vector.broadcast %sub3A_121 : vector<160x1xf32> to vector<160x128xf32>
    %add3A_123 = arith.addf %sub3A_120, %add3A_122 : vector<160x128xf32>
    %lt3A = vector.broadcast %convert_element_type3A_41 : f32 to vector<160x128xf32>
    %lt3A_124 = arith.cmpf olt, %add3A_123, %lt3A : vector<160x128xf32>
    %and3A = arith.andi %eq3A_34, %lt3A_124 : vector<160x128xi1>
    %or3A = arith.ori %gt3A_32, %and3A : vector<160x128xi1>
    %convert_element_type3A_125 = arith.extui %or3A : vector<160x128xi1> to vector<160x128xi32>
    %convert_element_type3A_126 = arith.sitofp %convert_element_type3A_125 : vector<160x128xi32> to vector<160x128xf32>
    %broadcast_in_dim3A_127 = arith.constant 0.000000e+00 : f32
    %broadcast_in_dim3A_128 = vector.broadcast %broadcast_in_dim3A_127 : f32 to vector<160x1xf32>
    %slice3A_129 = vector.extract_strided_slice %convert_element_type3A_126 {offsets = [0, 0], sizes = [160, 127], strides = [1, 1]} : vector<160x128xf32> to vector<160x127xf32>
    %concatenate3A_130 = tpu.concatenate %broadcast_in_dim3A_128, %slice3A_129 in 1 : vector<160x1xf32>, vector<160x127xf32> -> vector<160x128xf32>
    %add3A_131 = arith.addf %convert_element_type3A_126, %concatenate3A_130 : vector<160x128xf32>
    %broadcast_in_dim3A_132 = arith.constant 0.000000e+00 : f32
    %broadcast_in_dim3A_133 = vector.broadcast %broadcast_in_dim3A_132 : f32 to vector<160x2xf32>
    %slice3A_134 = vector.extract_strided_slice %add3A_131 {offsets = [0, 0], sizes = [160, 126], strides = [1, 1]} : vector<160x128xf32> to vector<160x126xf32>
    %concatenate3A_135 = tpu.concatenate %broadcast_in_dim3A_133, %slice3A_134 in 1 : vector<160x2xf32>, vector<160x126xf32> -> vector<160x128xf32>
    %add3A_136 = arith.addf %add3A_131, %concatenate3A_135 : vector<160x128xf32>
    %broadcast_in_dim3A_137 = arith.constant 0.000000e+00 : f32
    %broadcast_in_dim3A_138 = vector.broadcast %broadcast_in_dim3A_137 : f32 to vector<160x4xf32>
    %slice3A_139 = vector.extract_strided_slice %add3A_136 {offsets = [0, 0], sizes = [160, 124], strides = [1, 1]} : vector<160x128xf32> to vector<160x124xf32>
    %concatenate3A_140 = tpu.concatenate %broadcast_in_dim3A_138, %slice3A_139 in 1 : vector<160x4xf32>, vector<160x124xf32> -> vector<160x128xf32>
    %add3A_141 = arith.addf %add3A_136, %concatenate3A_140 : vector<160x128xf32>
    %broadcast_in_dim3A_142 = arith.constant 0.000000e+00 : f32
    %broadcast_in_dim3A_143 = vector.broadcast %broadcast_in_dim3A_142 : f32 to vector<160x8xf32>
    %slice3A_144 = vector.extract_strided_slice %add3A_141 {offsets = [0, 0], sizes = [160, 120], strides = [1, 1]} : vector<160x128xf32> to vector<160x120xf32>
    %concatenate3A_145 = tpu.concatenate %broadcast_in_dim3A_143, %slice3A_144 in 1 : vector<160x8xf32>, vector<160x120xf32> -> vector<160x128xf32>
    %add3A_146 = arith.addf %add3A_141, %concatenate3A_145 : vector<160x128xf32>
    %broadcast_in_dim3A_147 = arith.constant 0.000000e+00 : f32
    %broadcast_in_dim3A_148 = vector.broadcast %broadcast_in_dim3A_147 : f32 to vector<160x16xf32>
    %slice3A_149 = vector.extract_strided_slice %add3A_146 {offsets = [0, 0], sizes = [160, 112], strides = [1, 1]} : vector<160x128xf32> to vector<160x112xf32>
    %concatenate3A_150 = tpu.concatenate %broadcast_in_dim3A_148, %slice3A_149 in 1 : vector<160x16xf32>, vector<160x112xf32> -> vector<160x128xf32>
    %add3A_151 = arith.addf %add3A_146, %concatenate3A_150 : vector<160x128xf32>
    %broadcast_in_dim3A_152 = arith.constant 0.000000e+00 : f32
    %broadcast_in_dim3A_153 = vector.broadcast %broadcast_in_dim3A_152 : f32 to vector<160x32xf32>
    %slice3A_154 = vector.extract_strided_slice %add3A_151 {offsets = [0, 0], sizes = [160, 96], strides = [1, 1]} : vector<160x128xf32> to vector<160x96xf32>
    %concatenate3A_155 = tpu.concatenate %broadcast_in_dim3A_153, %slice3A_154 in 1 : vector<160x32xf32>, vector<160x96xf32> -> vector<160x128xf32>
    %add3A_156 = arith.addf %add3A_151, %concatenate3A_155 : vector<160x128xf32>
    %broadcast_in_dim3A_157 = arith.constant 0.000000e+00 : f32
    %broadcast_in_dim3A_158 = vector.broadcast %broadcast_in_dim3A_157 : f32 to vector<160x64xf32>
    %slice3A_159 = vector.extract_strided_slice %add3A_156 {offsets = [0, 0], sizes = [160, 64], strides = [1, 1]} : vector<160x128xf32> to vector<160x64xf32>
    %concatenate3A_160 = tpu.concatenate %broadcast_in_dim3A_158, %slice3A_159 in 1 : vector<160x64xf32>, vector<160x64xf32> -> vector<160x128xf32>
    %add3A_161 = arith.addf %add3A_156, %concatenate3A_160 : vector<160x128xf32>
    %reduce_sum3A_162 = arith.constant dense<0.000000e+00> : vector<160xf32>
    %reduce_sum3A_163 = vector.multi_reduction <add>, %convert_element_type3A_126, %reduce_sum3A_162 [1] : vector<160x128xf32> to vector<160xf32>
    %broadcast_in_dim3A_164 = vector.shape_cast %reduce_sum3A_163 : vector<160xf32> to vector<160x1xf32>
    %broadcast_in_dim3A_165 = arith.constant 0.000000e+00 : f32
    %broadcast_in_dim3A_166 = vector.broadcast %broadcast_in_dim3A_165 : f32 to vector<1x1xf32>
    %slice3A_167 = vector.extract_strided_slice %broadcast_in_dim3A_164 {offsets = [0, 0], sizes = [159, 1], strides = [1, 1]} : vector<160x1xf32> to vector<159x1xf32>
    %concatenate3A_168 = tpu.concatenate %broadcast_in_dim3A_166, %slice3A_167 in 0 : vector<1x1xf32>, vector<159x1xf32> -> vector<160x1xf32>
    %add3A_169 = arith.addf %broadcast_in_dim3A_164, %concatenate3A_168 : vector<160x1xf32>
    %broadcast_in_dim3A_170 = arith.constant 0.000000e+00 : f32
    %broadcast_in_dim3A_171 = vector.broadcast %broadcast_in_dim3A_170 : f32 to vector<2x1xf32>
    %slice3A_172 = vector.extract_strided_slice %add3A_169 {offsets = [0, 0], sizes = [158, 1], strides = [1, 1]} : vector<160x1xf32> to vector<158x1xf32>
    %concatenate3A_173 = tpu.concatenate %broadcast_in_dim3A_171, %slice3A_172 in 0 : vector<2x1xf32>, vector<158x1xf32> -> vector<160x1xf32>
    %add3A_174 = arith.addf %add3A_169, %concatenate3A_173 : vector<160x1xf32>
    %broadcast_in_dim3A_175 = arith.constant 0.000000e+00 : f32
    %broadcast_in_dim3A_176 = vector.broadcast %broadcast_in_dim3A_175 : f32 to vector<4x1xf32>
    %slice3A_177 = vector.extract_strided_slice %add3A_174 {offsets = [0, 0], sizes = [156, 1], strides = [1, 1]} : vector<160x1xf32> to vector<156x1xf32>
    %concatenate3A_178 = tpu.concatenate %broadcast_in_dim3A_176, %slice3A_177 in 0 : vector<4x1xf32>, vector<156x1xf32> -> vector<160x1xf32>
    %add3A_179 = arith.addf %add3A_174, %concatenate3A_178 : vector<160x1xf32>
    %broadcast_in_dim3A_180 = arith.constant 0.000000e+00 : f32
    %broadcast_in_dim3A_181 = vector.broadcast %broadcast_in_dim3A_180 : f32 to vector<8x1xf32>
    %slice3A_182 = vector.extract_strided_slice %add3A_179 {offsets = [0, 0], sizes = [152, 1], strides = [1, 1]} : vector<160x1xf32> to vector<152x1xf32>
    %concatenate3A_183 = tpu.concatenate %broadcast_in_dim3A_181, %slice3A_182 in 0 : vector<8x1xf32>, vector<152x1xf32> -> vector<160x1xf32>
    %add3A_184 = arith.addf %add3A_179, %concatenate3A_183 : vector<160x1xf32>
    %broadcast_in_dim3A_185 = arith.constant 0.000000e+00 : f32
    %broadcast_in_dim3A_186 = vector.broadcast %broadcast_in_dim3A_185 : f32 to vector<16x1xf32>
    %slice3A_187 = vector.extract_strided_slice %add3A_184 {offsets = [0, 0], sizes = [144, 1], strides = [1, 1]} : vector<160x1xf32> to vector<144x1xf32>
    %concatenate3A_188 = tpu.concatenate %broadcast_in_dim3A_186, %slice3A_187 in 0 : vector<16x1xf32>, vector<144x1xf32> -> vector<160x1xf32>
    %add3A_189 = arith.addf %add3A_184, %concatenate3A_188 : vector<160x1xf32>
    %broadcast_in_dim3A_190 = arith.constant 0.000000e+00 : f32
    %broadcast_in_dim3A_191 = vector.broadcast %broadcast_in_dim3A_190 : f32 to vector<32x1xf32>
    %slice3A_192 = vector.extract_strided_slice %add3A_189 {offsets = [0, 0], sizes = [128, 1], strides = [1, 1]} : vector<160x1xf32> to vector<128x1xf32>
    %concatenate3A_193 = tpu.concatenate %broadcast_in_dim3A_191, %slice3A_192 in 0 : vector<32x1xf32>, vector<128x1xf32> -> vector<160x1xf32>
    %add3A_194 = arith.addf %add3A_189, %concatenate3A_193 : vector<160x1xf32>
    %broadcast_in_dim3A_195 = arith.constant 0.000000e+00 : f32
    %broadcast_in_dim3A_196 = vector.broadcast %broadcast_in_dim3A_195 : f32 to vector<64x1xf32>
    %slice3A_197 = vector.extract_strided_slice %add3A_194 {offsets = [0, 0], sizes = [96, 1], strides = [1, 1]} : vector<160x1xf32> to vector<96x1xf32>
    %concatenate3A_198 = tpu.concatenate %broadcast_in_dim3A_196, %slice3A_197 in 0 : vector<64x1xf32>, vector<96x1xf32> -> vector<160x1xf32>
    %add3A_199 = arith.addf %add3A_194, %concatenate3A_198 : vector<160x1xf32>
    %broadcast_in_dim3A_200 = arith.constant 0.000000e+00 : f32
    %broadcast_in_dim3A_201 = vector.broadcast %broadcast_in_dim3A_200 : f32 to vector<128x1xf32>
    %slice3A_202 = vector.extract_strided_slice %add3A_199 {offsets = [0, 0], sizes = [32, 1], strides = [1, 1]} : vector<160x1xf32> to vector<32x1xf32>
    %concatenate3A_203 = tpu.concatenate %broadcast_in_dim3A_201, %slice3A_202 in 0 : vector<128x1xf32>, vector<32x1xf32> -> vector<160x1xf32>
    %add3A_204 = arith.addf %add3A_199, %concatenate3A_203 : vector<160x1xf32>
    %sub3A_205 = arith.subf %add3A_161, %convert_element_type3A_126 : vector<160x128xf32>
    %sub3A_206 = arith.subf %add3A_204, %broadcast_in_dim3A_164 : vector<160x1xf32>
    %add3A_207 = vector.broadcast %sub3A_206 : vector<160x1xf32> to vector<160x128xf32>
    %add3A_208 = arith.addf %sub3A_205, %add3A_207 : vector<160x128xf32>
    %convert_element_type3A_209 = arith.fptosi %add3A_208 : vector<160x128xf32> to vector<160x128xi32>
    %jit3A_210 = arith.constant 20480 : i32
    %broadcast_in_dim3A_211 = vector.broadcast %jit3A_210 : i32 to vector<160x128xi32>
    %select_n3A_212 = arith.select %or3A, %convert_element_type3A_209, %broadcast_in_dim3A_211 : vector<160x128xi1>, vector<160x128xi32>
    %swap3A_213 = arith.constant 0 : index
    %swap3A_214 = arith.constant 0 : index
    %swap3A_215 = arith.constant 0 : index
    %swap3A_216 = arith.constant 0 : index
    %swap3A_217 = vector.load %arg3[%swap3A_213, %swap3A_214, %swap3A_215, %swap3A_216] : memref<1x1x160x128xi32, #tpu.memory_space<vmem>>, vector<1x1x160x128xi32>
    %swap3A_218 = vector.shape_cast %swap3A_217 : vector<1x1x160x128xi32> to vector<160x128xi32>
    %swap3A_219 = vector.shape_cast %select_n3A_212 : vector<160x128xi32> to vector<1x1x160x128xi32>
    tpu.vector_store %arg3[%swap3A_213, %swap3A_214, %swap3A_215, %swap3A_216], %swap3A_219 {strides = array<i32>} : memref<1x1x160x128xi32, #tpu.memory_space<vmem>>, vector<1x1x160x128xi32>,
    return
  }
  func.func @transform_0(%arg0: i32, %arg1: i32) -> (i32, i32, i32, i32) {
    %c0_i32 = arith.constant 0 : i32
    %c0_i32_0 = arith.constant 0 : i32
    %c0_i32_1 = arith.constant 0 : i32
    %c0_i32_2 = arith.constant 0 : i32
    return %arg0, %c0_i32, %c0_i32_0, %c0_i32_1 : i32, i32, i32, i32
  }
  func.func @transform_1(%arg0: i32, %arg1: i32) -> (i32, i32, i32, i32) {
    %c0_i32 = arith.constant 0 : i32
    %c0_i32_0 = arith.constant 0 : i32
    %c0_i32_1 = arith.constant 0 : i32
    return %arg0, %arg1, %c0_i32, %c0_i32_0 : i32, i32, i32, i32
  }
  func.func @transform_2(%arg0: i32, %arg1: i32) -> (i32, i32, i32, i32) {
    %c0_i32 = arith.constant 0 : i32
    %c0_i32_0 = arith.constant 0 : i32
    %c0_i32_1 = arith.constant 0 : i32
    return %arg0, %arg1, %c0_i32, %c0_i32_0 : i32, i32, i32, i32
  }
  func.func @transform_3(%arg0: i32, %arg1: i32) -> (i32, i32, i32, i32) {
    %c0_i32 = arith.constant 0 : i32
    %c0_i32_0 = arith.constant 0 : i32
    %c0_i32_1 = arith.constant 0 : i32
    %c0_i32_2 = arith.constant 0 : i32
    return %arg0, %c0_i32, %c0_i32_0, %c0_i32_1 : i32, i32, i32, i32
  }
}

module attributes {stable_mosaic.version = 14 : i64} {
  func.func @_nms_kernel(%arg0: i32, %arg1: memref<1x20x5x800xf32, #tpu.memory_space<vmem>>, %arg2: memref<1x200x6xf32, #tpu.memory_space<vmem>>, %arg3: memref<800x800xf32, #tpu.memory_space<vmem>>, %arg4: memref<20x800xf32, #tpu.memory_space<vmem>>, %arg5: memref<20x4x800xf32, #tpu.memory_space<vmem>>) attributes {dimension_semantics = [#tpu.dimension_semantics<arbitrary>], iteration_bounds = array<i64: 8>, scalar_prefetch = 0 : i64, scratch_operands = 3 : i64, tpu.core_type = #tpu.core_type<tc>, window_params = [{transform_indices = @transform_0, window_bounds = array<i64: 1, 20, 5, 800>}, {transform_indices = @transform_1, window_bounds = array<i64: 1, 200, 6>}]} {
    %iota3A = tpu.iota {dimensions = array<i32: 0>} : vector<800x800xi32>
    %convert_element_type3A = arith.sitofp %iota3A : vector<800x800xi32> to vector<800x800xf32>
    %iota3A_0 = tpu.iota {dimensions = array<i32: 1>} : vector<800x800xi32>
    %convert_element_type3A_1 = arith.sitofp %iota3A_0 : vector<800x800xi32> to vector<800x800xf32>
    %iota3A_2 = tpu.iota {dimensions = array<i32: 1>} : vector<1x800xi32>
    %convert_element_type3A_3 = arith.sitofp %iota3A_2 : vector<1x800xi32> to vector<1x800xf32>
    %scan3A = arith.constant 0 : i32
    %scan3A_4 = arith.constant 20 : i32
    %scan3A_5 = arith.addi %scan3A, %scan3A_4 : i32
    %scan3A_6 = arith.constant 1 : i32
    scf.for %scan3A_21 = %scan3A to %scan3A_5 step %scan3A_6  : i32 {
      %get3A = arith.constant 0 : index
      %get3A_22 = arith.index_cast %scan3A_21 : i32 to index
      %get3A_23 = arith.constant 0 : index
      %get3A_24 = arith.constant 0 : index
      %get3A_25 = vector.load %arg1[%get3A, %get3A_22, %get3A_23, %get3A_24] : memref<1x20x5x800xf32, #tpu.memory_space<vmem>>, vector<1x1x5x800xf32>
      %get3A_26 = vector.shape_cast %get3A_25 : vector<1x1x5x800xf32> to vector<1x5x800xf32>
      %reshape3A = vector.shape_cast %get3A_26 : vector<1x5x800xf32> to vector<5x800xf32>
      %slice3A = vector.extract_strided_slice %reshape3A {offsets = [0, 0], sizes = [1, 800], strides = [1, 1]} : vector<5x800xf32> to vector<1x800xf32>
      %gt3A = arith.constant -1.000000e+30 : f32
      %gt3A_27 = vector.broadcast %gt3A : f32 to vector<1x800xf32>
      %gt3A_28 = arith.cmpf ogt, %slice3A, %gt3A_27 : vector<1x800xf32>
      %convert_element_type3A_29 = arith.extui %gt3A_28 : vector<1x800xi1> to vector<1x800xi32>
      %reduce_sum3A = vector.shape_cast %convert_element_type3A_29 : vector<1x800xi32> to vector<1x1x800xi32>
      %reduce_sum3A_30 = arith.constant dense<0> : vector<1xi32>
      %reduce_sum3A_31 = vector.multi_reduction <add>, %reduce_sum3A, %reduce_sum3A_30 [1, 2] : vector<1x1x800xi32> to vector<1xi32>
      %reduce_sum3A_32 = vector.shape_cast %reduce_sum3A_31 : vector<1xi32> to vector<1x1x1xi32>
      %reduce_sum3A_33 = vector.extract %reduce_sum3A_32[0, 0, 0] : i32 from vector<1x1x1xi32>
      %convert_element_type3A_34 = arith.sitofp %reduce_sum3A_33 : i32 to f32
      %jit3A = arith.constant 0.000000e+00 : f32
      %broadcast_in_dim3A = vector.shape_cast %gt3A_28 : vector<1x800xi1> to vector<1x800xi1>
      %broadcast_in_dim3A_35 = vector.broadcast %broadcast_in_dim3A : vector<1x800xi1> to vector<5x800xi1>
      %broadcast_in_dim3A_36 = vector.broadcast %jit3A : f32 to vector<5x800xf32>
      %select_n3A = arith.select %broadcast_in_dim3A_35, %reshape3A, %broadcast_in_dim3A_36 : vector<5x800xi1>, vector<5x800xf32>
      %slice3A_37 = vector.extract_strided_slice %select_n3A {offsets = [0, 0], sizes = [1, 800], strides = [1, 1]} : vector<5x800xf32> to vector<1x800xf32>
      %transpose3A = tpu.transpose %select_n3A, [1, 0] : vector<5x800xf32> -> vector<800x5xf32>
      %slice3A_38 = vector.extract_strided_slice %transpose3A {offsets = [0, 0], sizes = [800, 1], strides = [1, 1]} : vector<800x5xf32> to vector<800x1xf32>
      %gt3A_39 = vector.broadcast %slice3A_37 : vector<1x800xf32> to vector<800x800xf32>
      %gt3A_40 = vector.broadcast %slice3A_38 : vector<800x1xf32> to vector<800x800xf32>
      %gt3A_41 = arith.cmpf ogt, %gt3A_39, %gt3A_40 : vector<800x800xf32>
      %eq3A = vector.broadcast %slice3A_37 : vector<1x800xf32> to vector<800x800xf32>
      %eq3A_42 = vector.broadcast %slice3A_38 : vector<800x1xf32> to vector<800x800xf32>
      %eq3A_43 = arith.cmpf oeq, %eq3A, %eq3A_42 : vector<800x800xf32>
      %lt3A = arith.cmpf olt, %convert_element_type3A_1, %convert_element_type3A : vector<800x800xf32>
      %and3A = arith.andi %eq3A_43, %lt3A : vector<800x800xi1>
      %or3A = arith.ori %gt3A_41, %and3A : vector<800x800xi1>
      %convert_element_type3A_44 = arith.extui %or3A : vector<800x800xi1> to vector<800x800xi32>
      %convert_element_type3A_45 = arith.sitofp %convert_element_type3A_44 : vector<800x800xi32> to vector<800x800xf32>
      %reduce_sum3A_46 = arith.constant dense<0.000000e+00> : vector<800xf32>
      %reduce_sum3A_47 = vector.multi_reduction <add>, %convert_element_type3A_45, %reduce_sum3A_46 [1] : vector<800x800xf32> to vector<800xf32>
      %broadcast_in_dim3A_48 = vector.shape_cast %reduce_sum3A_47 : vector<800xf32> to vector<800x1xf32>
      %eq3A_49 = vector.broadcast %broadcast_in_dim3A_48 : vector<800x1xf32> to vector<800x800xf32>
      %eq3A_50 = arith.cmpf oeq, %eq3A_49, %convert_element_type3A_1 : vector<800x800xf32>
      %convert_element_type3A_51 = arith.extui %eq3A_50 : vector<800x800xi1> to vector<800x800xi32>
      %convert_element_type3A_52 = arith.sitofp %convert_element_type3A_51 : vector<800x800xi32> to vector<800x800xf32>
      %dot_general3A = arith.constant dense<0.000000e+00> : vector<5x800xf32>
      %dot_general3A_53 = tpu.matmul %select_n3A, %convert_element_type3A_52, %dot_general3A {dimension_numbers = #tpu.dot_dimension_numbers<[1], [0], [0], [1], [0, 0, 1, 1], [], []>, precision = #tpu.contract_precision<fp32>, transpose_lhs_hint = false} : vector<5x800xf32>, vector<800x800xf32>, vector<5x800xf32> -> vector<5x800xf32>
      %transpose3A_54 = tpu.transpose %dot_general3A_53, [1, 0] : vector<5x800xf32> -> vector<800x5xf32>
      %slice3A_55 = vector.extract_strided_slice %dot_general3A_53 {offsets = [1, 0], sizes = [1, 800], strides = [1, 1]} : vector<5x800xf32> to vector<1x800xf32>
      %slice3A_56 = vector.extract_strided_slice %dot_general3A_53 {offsets = [2, 0], sizes = [1, 800], strides = [1, 1]} : vector<5x800xf32> to vector<1x800xf32>
      %slice3A_57 = vector.extract_strided_slice %dot_general3A_53 {offsets = [3, 0], sizes = [1, 800], strides = [1, 1]} : vector<5x800xf32> to vector<1x800xf32>
      %slice3A_58 = vector.extract_strided_slice %dot_general3A_53 {offsets = [4, 0], sizes = [1, 800], strides = [1, 1]} : vector<5x800xf32> to vector<1x800xf32>
      %slice3A_59 = vector.extract_strided_slice %transpose3A_54 {offsets = [0, 1], sizes = [800, 1], strides = [1, 1]} : vector<800x5xf32> to vector<800x1xf32>
      %slice3A_60 = vector.extract_strided_slice %transpose3A_54 {offsets = [0, 2], sizes = [800, 1], strides = [1, 1]} : vector<800x5xf32> to vector<800x1xf32>
      %slice3A_61 = vector.extract_strided_slice %transpose3A_54 {offsets = [0, 3], sizes = [800, 1], strides = [1, 1]} : vector<800x5xf32> to vector<800x1xf32>
      %slice3A_62 = vector.extract_strided_slice %transpose3A_54 {offsets = [0, 4], sizes = [800, 1], strides = [1, 1]} : vector<800x5xf32> to vector<800x1xf32>
      %sub3A = arith.subf %slice3A_57, %slice3A_55 : vector<1x800xf32>
      %max3A = arith.constant 0.000000e+00 : f32
      %max3A_63 = vector.broadcast %max3A : f32 to vector<1x800xf32>
      %max3A_64 = arith.maximumf %sub3A, %max3A_63 : vector<1x800xf32>
      %sub3A_65 = arith.subf %slice3A_58, %slice3A_56 : vector<1x800xf32>
      %max3A_66 = arith.constant 0.000000e+00 : f32
      %max3A_67 = vector.broadcast %max3A_66 : f32 to vector<1x800xf32>
      %max3A_68 = arith.maximumf %sub3A_65, %max3A_67 : vector<1x800xf32>
      %mul3A_69 = arith.mulf %max3A_64, %max3A_68 : vector<1x800xf32>
      %sub3A_70 = arith.subf %slice3A_61, %slice3A_59 : vector<800x1xf32>
      %max3A_71 = arith.constant 0.000000e+00 : f32
      %max3A_72 = vector.broadcast %max3A_71 : f32 to vector<800x1xf32>
      %max3A_73 = arith.maximumf %sub3A_70, %max3A_72 : vector<800x1xf32>
      %sub3A_74 = arith.subf %slice3A_62, %slice3A_60 : vector<800x1xf32>
      %max3A_75 = arith.constant 0.000000e+00 : f32
      %max3A_76 = vector.broadcast %max3A_75 : f32 to vector<800x1xf32>
      %max3A_77 = arith.maximumf %sub3A_74, %max3A_76 : vector<800x1xf32>
      %mul3A_78 = arith.mulf %max3A_73, %max3A_77 : vector<800x1xf32>
      %max3A_79 = vector.broadcast %slice3A_59 : vector<800x1xf32> to vector<800x800xf32>
      %max3A_80 = vector.broadcast %slice3A_55 : vector<1x800xf32> to vector<800x800xf32>
      %max3A_81 = arith.maximumf %max3A_79, %max3A_80 : vector<800x800xf32>
      %max3A_82 = vector.broadcast %slice3A_60 : vector<800x1xf32> to vector<800x800xf32>
      %max3A_83 = vector.broadcast %slice3A_56 : vector<1x800xf32> to vector<800x800xf32>
      %max3A_84 = arith.maximumf %max3A_82, %max3A_83 : vector<800x800xf32>
      %min3A = vector.broadcast %slice3A_61 : vector<800x1xf32> to vector<800x800xf32>
      %min3A_85 = vector.broadcast %slice3A_57 : vector<1x800xf32> to vector<800x800xf32>
      %min3A_86 = arith.minimumf %min3A, %min3A_85 : vector<800x800xf32>
      %min3A_87 = vector.broadcast %slice3A_62 : vector<800x1xf32> to vector<800x800xf32>
      %min3A_88 = vector.broadcast %slice3A_58 : vector<1x800xf32> to vector<800x800xf32>
      %min3A_89 = arith.minimumf %min3A_87, %min3A_88 : vector<800x800xf32>
      %sub3A_90 = arith.subf %min3A_86, %max3A_81 : vector<800x800xf32>
      %max3A_91 = arith.constant 0.000000e+00 : f32
      %max3A_92 = vector.broadcast %max3A_91 : f32 to vector<800x800xf32>
      %max3A_93 = arith.maximumf %sub3A_90, %max3A_92 : vector<800x800xf32>
      %sub3A_94 = arith.subf %min3A_89, %max3A_84 : vector<800x800xf32>
      %max3A_95 = arith.constant 0.000000e+00 : f32
      %max3A_96 = vector.broadcast %max3A_95 : f32 to vector<800x800xf32>
      %max3A_97 = arith.maximumf %sub3A_94, %max3A_96 : vector<800x800xf32>
      %mul3A_98 = arith.mulf %max3A_93, %max3A_97 : vector<800x800xf32>
      %add3A_99 = vector.broadcast %mul3A_78 : vector<800x1xf32> to vector<800x800xf32>
      %add3A_100 = vector.broadcast %mul3A_69 : vector<1x800xf32> to vector<800x800xf32>
      %add3A_101 = arith.addf %add3A_99, %add3A_100 : vector<800x800xf32>
      %sub3A_102 = arith.subf %add3A_101, %mul3A_98 : vector<800x800xf32>
      %gt3A_103 = arith.constant 0.000000e+00 : f32
      %gt3A_104 = vector.broadcast %gt3A_103 : f32 to vector<800x800xf32>
      %gt3A_105 = arith.cmpf ogt, %sub3A_102, %gt3A_104 : vector<800x800xf32>
      %div3A = arith.divf %mul3A_98, %sub3A_102 : vector<800x800xf32>
      %jit3A_106 = arith.constant 0.000000e+00 : f32
      %broadcast_in_dim3A_107 = vector.broadcast %jit3A_106 : f32 to vector<800x800xf32>
      %select_n3A_108 = arith.select %gt3A_105, %div3A, %broadcast_in_dim3A_107 : vector<800x800xi1>, vector<800x800xf32>
      %gt3A_109 = arith.constant 4.500000e-01 : f32
      %gt3A_110 = vector.broadcast %gt3A_109 : f32 to vector<800x800xf32>
      %gt3A_111 = arith.cmpf ogt, %select_n3A_108, %gt3A_110 : vector<800x800xf32>
      %gt3A_112 = arith.cmpf ogt, %convert_element_type3A_1, %convert_element_type3A : vector<800x800xf32>
      %and3A_113 = arith.andi %gt3A_111, %gt3A_112 : vector<800x800xi1>
      %convert_element_type3A_114 = arith.extui %and3A_113 : vector<800x800xi1> to vector<800x800xi32>
      %convert_element_type3A_115 = arith.sitofp %convert_element_type3A_114 : vector<800x800xi32> to vector<800x800xf32>
      %swap3A = arith.constant 0 : index
      %swap3A_116 = arith.constant 0 : index
      %swap3A_117 = vector.load %arg3[%swap3A, %swap3A_116] : memref<800x800xf32, #tpu.memory_space<vmem>>, vector<800x800xf32>
      tpu.vector_store %arg3[%swap3A, %swap3A_116], %convert_element_type3A_115 {strides = array<i32>} : memref<800x800xf32, #tpu.memory_space<vmem>>, vector<800x800xf32>,
      %lt3A_118 = vector.broadcast %convert_element_type3A_34 : f32 to vector<1x800xf32>
      %lt3A_119 = arith.cmpf olt, %convert_element_type3A_3, %lt3A_118 : vector<1x800xf32>
      %convert_element_type3A_120 = arith.extui %lt3A_119 : vector<1x800xi1> to vector<1x800xi32>
      %convert_element_type3A_121 = arith.sitofp %convert_element_type3A_120 : vector<1x800xi32> to vector<1x800xf32>
      %scan3A_122 = arith.constant 0 : i32
      %scan3A_123 = arith.constant 25 : i32
      %scan3A_124 = arith.addi %scan3A_122, %scan3A_123 : i32
      %scan3A_125 = arith.constant 1 : i32
      %scan3A_126 = scf.for %scan3A_201 = %scan3A_122 to %scan3A_124 step %scan3A_125 iter_args(%scan3A_202 = %convert_element_type3A_121) -> (vector<1x800xf32>)  : i32 {
        %mul3A_203 = arith.constant 32 : i32
        %mul3A_204 = arith.muli %scan3A_201, %mul3A_203 : i32
        %add3A_205 = arith.constant 0 : i32
        %add3A_206 = arith.addi %mul3A_204, %add3A_205 : i32
        %convert_element_type3A_207 = arith.sitofp %add3A_206 : i32 to f32
        %eq3A_208 = vector.broadcast %convert_element_type3A_207 : f32 to vector<1x800xf32>
        %eq3A_209 = arith.cmpf oeq, %convert_element_type3A_3, %eq3A_208 : vector<1x800xf32>
        %convert_element_type3A_210 = arith.extui %eq3A_209 : vector<1x800xi1> to vector<1x800xi32>
        %convert_element_type3A_211 = arith.sitofp %convert_element_type3A_210 : vector<1x800xi32> to vector<1x800xf32>
        %mul3A_212 = arith.mulf %scan3A_202, %convert_element_type3A_211 : vector<1x800xf32>
        %reduce_sum3A_213 = vector.shape_cast %mul3A_212 : vector<1x800xf32> to vector<1x1x800xf32>
        %reduce_sum3A_214 = arith.constant dense<0.000000e+00> : vector<1xf32>
        %reduce_sum3A_215 = vector.multi_reduction <add>, %reduce_sum3A_213, %reduce_sum3A_214 [1, 2] : vector<1x1x800xf32> to vector<1xf32>
        %reduce_sum3A_216 = vector.shape_cast %reduce_sum3A_215 : vector<1xf32> to vector<1x1x1xf32>
        %reduce_sum3A_217 = vector.extract %reduce_sum3A_216[0, 0, 0] : f32 from vector<1x1x1xf32>
        %get3A_218 = arith.index_cast %add3A_206 : i32 to index
        %get3A_219 = arith.constant 0 : index
        %get3A_220 = vector.load %arg3[%get3A_218, %get3A_219] : memref<800x800xf32, #tpu.memory_space<vmem>>, vector<1x800xf32>
        %mul3A_221 = vector.broadcast %reduce_sum3A_217 : f32 to vector<1x800xf32>
        %mul3A_222 = arith.mulf %get3A_220, %mul3A_221 : vector<1x800xf32>
        %sub3A_223 = arith.constant 1.000000e+00 : f32
        %sub3A_224 = vector.broadcast %sub3A_223 : f32 to vector<1x800xf32>
        %sub3A_225 = arith.subf %sub3A_224, %mul3A_222 : vector<1x800xf32>
        %mul3A_226 = arith.mulf %scan3A_202, %sub3A_225 : vector<1x800xf32>
        %mul3A_227 = arith.constant 32 : i32
        %mul3A_228 = arith.muli %scan3A_201, %mul3A_227 : i32
        %add3A_229 = arith.constant 1 : i32
        %add3A_230 = arith.addi %mul3A_228, %add3A_229 : i32
        %convert_element_type3A_231 = arith.sitofp %add3A_230 : i32 to f32
        %eq3A_232 = vector.broadcast %convert_element_type3A_231 : f32 to vector<1x800xf32>
        %eq3A_233 = arith.cmpf oeq, %convert_element_type3A_3, %eq3A_232 : vector<1x800xf32>
        %convert_element_type3A_234 = arith.extui %eq3A_233 : vector<1x800xi1> to vector<1x800xi32>
        %convert_element_type3A_235 = arith.sitofp %convert_element_type3A_234 : vector<1x800xi32> to vector<1x800xf32>
        %mul3A_236 = arith.mulf %mul3A_226, %convert_element_type3A_235 : vector<1x800xf32>
        %reduce_sum3A_237 = vector.shape_cast %mul3A_236 : vector<1x800xf32> to vector<1x1x800xf32>
        %reduce_sum3A_238 = arith.constant dense<0.000000e+00> : vector<1xf32>
        %reduce_sum3A_239 = vector.multi_reduction <add>, %reduce_sum3A_237, %reduce_sum3A_238 [1, 2] : vector<1x1x800xf32> to vector<1xf32>
        %reduce_sum3A_240 = vector.shape_cast %reduce_sum3A_239 : vector<1xf32> to vector<1x1x1xf32>
        %reduce_sum3A_241 = vector.extract %reduce_sum3A_240[0, 0, 0] : f32 from vector<1x1x1xf32>
        %get3A_242 = arith.index_cast %add3A_230 : i32 to index
        %get3A_243 = arith.constant 0 : index
        %get3A_244 = vector.load %arg3[%get3A_242, %get3A_243] : memref<800x800xf32, #tpu.memory_space<vmem>>, vector<1x800xf32>
        %mul3A_245 = vector.broadcast %reduce_sum3A_241 : f32 to vector<1x800xf32>
        %mul3A_246 = arith.mulf %get3A_244, %mul3A_245 : vector<1x800xf32>
        %sub3A_247 = arith.constant 1.000000e+00 : f32
        %sub3A_248 = vector.broadcast %sub3A_247 : f32 to vector<1x800xf32>
        %sub3A_249 = arith.subf %sub3A_248, %mul3A_246 : vector<1x800xf32>
        %mul3A_250 = arith.mulf %mul3A_226, %sub3A_249 : vector<1x800xf32>
        %mul3A_251 = arith.constant 32 : i32
        %mul3A_252 = arith.muli %scan3A_201, %mul3A_251 : i32
        %add3A_253 = arith.constant 2 : i32
        %add3A_254 = arith.addi %mul3A_252, %add3A_253 : i32
        %convert_element_type3A_255 = arith.sitofp %add3A_254 : i32 to f32
        %eq3A_256 = vector.broadcast %convert_element_type3A_255 : f32 to vector<1x800xf32>
        %eq3A_257 = arith.cmpf oeq, %convert_element_type3A_3, %eq3A_256 : vector<1x800xf32>
        %convert_element_type3A_258 = arith.extui %eq3A_257 : vector<1x800xi1> to vector<1x800xi32>
        %convert_element_type3A_259 = arith.sitofp %convert_element_type3A_258 : vector<1x800xi32> to vector<1x800xf32>
        %mul3A_260 = arith.mulf %mul3A_250, %convert_element_type3A_259 : vector<1x800xf32>
        %reduce_sum3A_261 = vector.shape_cast %mul3A_260 : vector<1x800xf32> to vector<1x1x800xf32>
        %reduce_sum3A_262 = arith.constant dense<0.000000e+00> : vector<1xf32>
        %reduce_sum3A_263 = vector.multi_reduction <add>, %reduce_sum3A_261, %reduce_sum3A_262 [1, 2] : vector<1x1x800xf32> to vector<1xf32>
        %reduce_sum3A_264 = vector.shape_cast %reduce_sum3A_263 : vector<1xf32> to vector<1x1x1xf32>
        %reduce_sum3A_265 = vector.extract %reduce_sum3A_264[0, 0, 0] : f32 from vector<1x1x1xf32>
        %get3A_266 = arith.index_cast %add3A_254 : i32 to index
        %get3A_267 = arith.constant 0 : index
        %get3A_268 = vector.load %arg3[%get3A_266, %get3A_267] : memref<800x800xf32, #tpu.memory_space<vmem>>, vector<1x800xf32>
        %mul3A_269 = vector.broadcast %reduce_sum3A_265 : f32 to vector<1x800xf32>
        %mul3A_270 = arith.mulf %get3A_268, %mul3A_269 : vector<1x800xf32>
        %sub3A_271 = arith.constant 1.000000e+00 : f32
        %sub3A_272 = vector.broadcast %sub3A_271 : f32 to vector<1x800xf32>
        %sub3A_273 = arith.subf %sub3A_272, %mul3A_270 : vector<1x800xf32>
        %mul3A_274 = arith.mulf %mul3A_250, %sub3A_273 : vector<1x800xf32>
        %mul3A_275 = arith.constant 32 : i32
        %mul3A_276 = arith.muli %scan3A_201, %mul3A_275 : i32
        %add3A_277 = arith.constant 3 : i32
        %add3A_278 = arith.addi %mul3A_276, %add3A_277 : i32
        %convert_element_type3A_279 = arith.sitofp %add3A_278 : i32 to f32
        %eq3A_280 = vector.broadcast %convert_element_type3A_279 : f32 to vector<1x800xf32>
        %eq3A_281 = arith.cmpf oeq, %convert_element_type3A_3, %eq3A_280 : vector<1x800xf32>
        %convert_element_type3A_282 = arith.extui %eq3A_281 : vector<1x800xi1> to vector<1x800xi32>
        %convert_element_type3A_283 = arith.sitofp %convert_element_type3A_282 : vector<1x800xi32> to vector<1x800xf32>
        %mul3A_284 = arith.mulf %mul3A_274, %convert_element_type3A_283 : vector<1x800xf32>
        %reduce_sum3A_285 = vector.shape_cast %mul3A_284 : vector<1x800xf32> to vector<1x1x800xf32>
        %reduce_sum3A_286 = arith.constant dense<0.000000e+00> : vector<1xf32>
        %reduce_sum3A_287 = vector.multi_reduction <add>, %reduce_sum3A_285, %reduce_sum3A_286 [1, 2] : vector<1x1x800xf32> to vector<1xf32>
        %reduce_sum3A_288 = vector.shape_cast %reduce_sum3A_287 : vector<1xf32> to vector<1x1x1xf32>
        %reduce_sum3A_289 = vector.extract %reduce_sum3A_288[0, 0, 0] : f32 from vector<1x1x1xf32>
        %get3A_290 = arith.index_cast %add3A_278 : i32 to index
        %get3A_291 = arith.constant 0 : index
        %get3A_292 = vector.load %arg3[%get3A_290, %get3A_291] : memref<800x800xf32, #tpu.memory_space<vmem>>, vector<1x800xf32>
        %mul3A_293 = vector.broadcast %reduce_sum3A_289 : f32 to vector<1x800xf32>
        %mul3A_294 = arith.mulf %get3A_292, %mul3A_293 : vector<1x800xf32>
        %sub3A_295 = arith.constant 1.000000e+00 : f32
        %sub3A_296 = vector.broadcast %sub3A_295 : f32 to vector<1x800xf32>
        %sub3A_297 = arith.subf %sub3A_296, %mul3A_294 : vector<1x800xf32>
        %mul3A_298 = arith.mulf %mul3A_274, %sub3A_297 : vector<1x800xf32>
        %mul3A_299 = arith.constant 32 : i32
        %mul3A_300 = arith.muli %scan3A_201, %mul3A_299 : i32
        %add3A_301 = arith.constant 4 : i32
        %add3A_302 = arith.addi %mul3A_300, %add3A_301 : i32
        %convert_element_type3A_303 = arith.sitofp %add3A_302 : i32 to f32
        %eq3A_304 = vector.broadcast %convert_element_type3A_303 : f32 to vector<1x800xf32>
        %eq3A_305 = arith.cmpf oeq, %convert_element_type3A_3, %eq3A_304 : vector<1x800xf32>
        %convert_element_type3A_306 = arith.extui %eq3A_305 : vector<1x800xi1> to vector<1x800xi32>
        %convert_element_type3A_307 = arith.sitofp %convert_element_type3A_306 : vector<1x800xi32> to vector<1x800xf32>
        %mul3A_308 = arith.mulf %mul3A_298, %convert_element_type3A_307 : vector<1x800xf32>
        %reduce_sum3A_309 = vector.shape_cast %mul3A_308 : vector<1x800xf32> to vector<1x1x800xf32>
        %reduce_sum3A_310 = arith.constant dense<0.000000e+00> : vector<1xf32>
        %reduce_sum3A_311 = vector.multi_reduction <add>, %reduce_sum3A_309, %reduce_sum3A_310 [1, 2] : vector<1x1x800xf32> to vector<1xf32>
        %reduce_sum3A_312 = vector.shape_cast %reduce_sum3A_311 : vector<1xf32> to vector<1x1x1xf32>
        %reduce_sum3A_313 = vector.extract %reduce_sum3A_312[0, 0, 0] : f32 from vector<1x1x1xf32>
        %get3A_314 = arith.index_cast %add3A_302 : i32 to index
        %get3A_315 = arith.constant 0 : index
        %get3A_316 = vector.load %arg3[%get3A_314, %get3A_315] : memref<800x800xf32, #tpu.memory_space<vmem>>, vector<1x800xf32>
        %mul3A_317 = vector.broadcast %reduce_sum3A_313 : f32 to vector<1x800xf32>
        %mul3A_318 = arith.mulf %get3A_316, %mul3A_317 : vector<1x800xf32>
        %sub3A_319 = arith.constant 1.000000e+00 : f32
        %sub3A_320 = vector.broadcast %sub3A_319 : f32 to vector<1x800xf32>
        %sub3A_321 = arith.subf %sub3A_320, %mul3A_318 : vector<1x800xf32>
        %mul3A_322 = arith.mulf %mul3A_298, %sub3A_321 : vector<1x800xf32>
        %mul3A_323 = arith.constant 32 : i32
        %mul3A_324 = arith.muli %scan3A_201, %mul3A_323 : i32
        %add3A_325 = arith.constant 5 : i32
        %add3A_326 = arith.addi %mul3A_324, %add3A_325 : i32
        %convert_element_type3A_327 = arith.sitofp %add3A_326 : i32 to f32
        %eq3A_328 = vector.broadcast %convert_element_type3A_327 : f32 to vector<1x800xf32>
        %eq3A_329 = arith.cmpf oeq, %convert_element_type3A_3, %eq3A_328 : vector<1x800xf32>
        %convert_element_type3A_330 = arith.extui %eq3A_329 : vector<1x800xi1> to vector<1x800xi32>
        %convert_element_type3A_331 = arith.sitofp %convert_element_type3A_330 : vector<1x800xi32> to vector<1x800xf32>
        %mul3A_332 = arith.mulf %mul3A_322, %convert_element_type3A_331 : vector<1x800xf32>
        %reduce_sum3A_333 = vector.shape_cast %mul3A_332 : vector<1x800xf32> to vector<1x1x800xf32>
        %reduce_sum3A_334 = arith.constant dense<0.000000e+00> : vector<1xf32>
        %reduce_sum3A_335 = vector.multi_reduction <add>, %reduce_sum3A_333, %reduce_sum3A_334 [1, 2] : vector<1x1x800xf32> to vector<1xf32>
        %reduce_sum3A_336 = vector.shape_cast %reduce_sum3A_335 : vector<1xf32> to vector<1x1x1xf32>
        %reduce_sum3A_337 = vector.extract %reduce_sum3A_336[0, 0, 0] : f32 from vector<1x1x1xf32>
        %get3A_338 = arith.index_cast %add3A_326 : i32 to index
        %get3A_339 = arith.constant 0 : index
        %get3A_340 = vector.load %arg3[%get3A_338, %get3A_339] : memref<800x800xf32, #tpu.memory_space<vmem>>, vector<1x800xf32>
        %mul3A_341 = vector.broadcast %reduce_sum3A_337 : f32 to vector<1x800xf32>
        %mul3A_342 = arith.mulf %get3A_340, %mul3A_341 : vector<1x800xf32>
        %sub3A_343 = arith.constant 1.000000e+00 : f32
        %sub3A_344 = vector.broadcast %sub3A_343 : f32 to vector<1x800xf32>
        %sub3A_345 = arith.subf %sub3A_344, %mul3A_342 : vector<1x800xf32>
        %mul3A_346 = arith.mulf %mul3A_322, %sub3A_345 : vector<1x800xf32>
        %mul3A_347 = arith.constant 32 : i32
        %mul3A_348 = arith.muli %scan3A_201, %mul3A_347 : i32
        %add3A_349 = arith.constant 6 : i32
        %add3A_350 = arith.addi %mul3A_348, %add3A_349 : i32
        %convert_element_type3A_351 = arith.sitofp %add3A_350 : i32 to f32
        %eq3A_352 = vector.broadcast %convert_element_type3A_351 : f32 to vector<1x800xf32>
        %eq3A_353 = arith.cmpf oeq, %convert_element_type3A_3, %eq3A_352 : vector<1x800xf32>
        %convert_element_type3A_354 = arith.extui %eq3A_353 : vector<1x800xi1> to vector<1x800xi32>
        %convert_element_type3A_355 = arith.sitofp %convert_element_type3A_354 : vector<1x800xi32> to vector<1x800xf32>
        %mul3A_356 = arith.mulf %mul3A_346, %convert_element_type3A_355 : vector<1x800xf32>
        %reduce_sum3A_357 = vector.shape_cast %mul3A_356 : vector<1x800xf32> to vector<1x1x800xf32>
        %reduce_sum3A_358 = arith.constant dense<0.000000e+00> : vector<1xf32>
        %reduce_sum3A_359 = vector.multi_reduction <add>, %reduce_sum3A_357, %reduce_sum3A_358 [1, 2] : vector<1x1x800xf32> to vector<1xf32>
        %reduce_sum3A_360 = vector.shape_cast %reduce_sum3A_359 : vector<1xf32> to vector<1x1x1xf32>
        %reduce_sum3A_361 = vector.extract %reduce_sum3A_360[0, 0, 0] : f32 from vector<1x1x1xf32>
        %get3A_362 = arith.index_cast %add3A_350 : i32 to index
        %get3A_363 = arith.constant 0 : index
        %get3A_364 = vector.load %arg3[%get3A_362, %get3A_363] : memref<800x800xf32, #tpu.memory_space<vmem>>, vector<1x800xf32>
        %mul3A_365 = vector.broadcast %reduce_sum3A_361 : f32 to vector<1x800xf32>
        %mul3A_366 = arith.mulf %get3A_364, %mul3A_365 : vector<1x800xf32>
        %sub3A_367 = arith.constant 1.000000e+00 : f32
        %sub3A_368 = vector.broadcast %sub3A_367 : f32 to vector<1x800xf32>
        %sub3A_369 = arith.subf %sub3A_368, %mul3A_366 : vector<1x800xf32>
        %mul3A_370 = arith.mulf %mul3A_346, %sub3A_369 : vector<1x800xf32>
        %mul3A_371 = arith.constant 32 : i32
        %mul3A_372 = arith.muli %scan3A_201, %mul3A_371 : i32
        %add3A_373 = arith.constant 7 : i32
        %add3A_374 = arith.addi %mul3A_372, %add3A_373 : i32
        %convert_element_type3A_375 = arith.sitofp %add3A_374 : i32 to f32
        %eq3A_376 = vector.broadcast %convert_element_type3A_375 : f32 to vector<1x800xf32>
        %eq3A_377 = arith.cmpf oeq, %convert_element_type3A_3, %eq3A_376 : vector<1x800xf32>
        %convert_element_type3A_378 = arith.extui %eq3A_377 : vector<1x800xi1> to vector<1x800xi32>
        %convert_element_type3A_379 = arith.sitofp %convert_element_type3A_378 : vector<1x800xi32> to vector<1x800xf32>
        %mul3A_380 = arith.mulf %mul3A_370, %convert_element_type3A_379 : vector<1x800xf32>
        %reduce_sum3A_381 = vector.shape_cast %mul3A_380 : vector<1x800xf32> to vector<1x1x800xf32>
        %reduce_sum3A_382 = arith.constant dense<0.000000e+00> : vector<1xf32>
        %reduce_sum3A_383 = vector.multi_reduction <add>, %reduce_sum3A_381, %reduce_sum3A_382 [1, 2] : vector<1x1x800xf32> to vector<1xf32>
        %reduce_sum3A_384 = vector.shape_cast %reduce_sum3A_383 : vector<1xf32> to vector<1x1x1xf32>
        %reduce_sum3A_385 = vector.extract %reduce_sum3A_384[0, 0, 0] : f32 from vector<1x1x1xf32>
        %get3A_386 = arith.index_cast %add3A_374 : i32 to index
        %get3A_387 = arith.constant 0 : index
        %get3A_388 = vector.load %arg3[%get3A_386, %get3A_387] : memref<800x800xf32, #tpu.memory_space<vmem>>, vector<1x800xf32>
        %mul3A_389 = vector.broadcast %reduce_sum3A_385 : f32 to vector<1x800xf32>
        %mul3A_390 = arith.mulf %get3A_388, %mul3A_389 : vector<1x800xf32>
        %sub3A_391 = arith.constant 1.000000e+00 : f32
        %sub3A_392 = vector.broadcast %sub3A_391 : f32 to vector<1x800xf32>
        %sub3A_393 = arith.subf %sub3A_392, %mul3A_390 : vector<1x800xf32>
        %mul3A_394 = arith.mulf %mul3A_370, %sub3A_393 : vector<1x800xf32>
        %mul3A_395 = arith.constant 32 : i32
        %mul3A_396 = arith.muli %scan3A_201, %mul3A_395 : i32
        %add3A_397 = arith.constant 8 : i32
        %add3A_398 = arith.addi %mul3A_396, %add3A_397 : i32
        %convert_element_type3A_399 = arith.sitofp %add3A_398 : i32 to f32
        %eq3A_400 = vector.broadcast %convert_element_type3A_399 : f32 to vector<1x800xf32>
        %eq3A_401 = arith.cmpf oeq, %convert_element_type3A_3, %eq3A_400 : vector<1x800xf32>
        %convert_element_type3A_402 = arith.extui %eq3A_401 : vector<1x800xi1> to vector<1x800xi32>
        %convert_element_type3A_403 = arith.sitofp %convert_element_type3A_402 : vector<1x800xi32> to vector<1x800xf32>
        %mul3A_404 = arith.mulf %mul3A_394, %convert_element_type3A_403 : vector<1x800xf32>
        %reduce_sum3A_405 = vector.shape_cast %mul3A_404 : vector<1x800xf32> to vector<1x1x800xf32>
        %reduce_sum3A_406 = arith.constant dense<0.000000e+00> : vector<1xf32>
        %reduce_sum3A_407 = vector.multi_reduction <add>, %reduce_sum3A_405, %reduce_sum3A_406 [1, 2] : vector<1x1x800xf32> to vector<1xf32>
        %reduce_sum3A_408 = vector.shape_cast %reduce_sum3A_407 : vector<1xf32> to vector<1x1x1xf32>
        %reduce_sum3A_409 = vector.extract %reduce_sum3A_408[0, 0, 0] : f32 from vector<1x1x1xf32>
        %get3A_410 = arith.index_cast %add3A_398 : i32 to index
        %get3A_411 = arith.constant 0 : index
        %get3A_412 = vector.load %arg3[%get3A_410, %get3A_411] : memref<800x800xf32, #tpu.memory_space<vmem>>, vector<1x800xf32>
        %mul3A_413 = vector.broadcast %reduce_sum3A_409 : f32 to vector<1x800xf32>
        %mul3A_414 = arith.mulf %get3A_412, %mul3A_413 : vector<1x800xf32>
        %sub3A_415 = arith.constant 1.000000e+00 : f32
        %sub3A_416 = vector.broadcast %sub3A_415 : f32 to vector<1x800xf32>
        %sub3A_417 = arith.subf %sub3A_416, %mul3A_414 : vector<1x800xf32>
        %mul3A_418 = arith.mulf %mul3A_394, %sub3A_417 : vector<1x800xf32>
        %mul3A_419 = arith.constant 32 : i32
        %mul3A_420 = arith.muli %scan3A_201, %mul3A_419 : i32
        %add3A_421 = arith.constant 9 : i32
        %add3A_422 = arith.addi %mul3A_420, %add3A_421 : i32
        %convert_element_type3A_423 = arith.sitofp %add3A_422 : i32 to f32
        %eq3A_424 = vector.broadcast %convert_element_type3A_423 : f32 to vector<1x800xf32>
        %eq3A_425 = arith.cmpf oeq, %convert_element_type3A_3, %eq3A_424 : vector<1x800xf32>
        %convert_element_type3A_426 = arith.extui %eq3A_425 : vector<1x800xi1> to vector<1x800xi32>
        %convert_element_type3A_427 = arith.sitofp %convert_element_type3A_426 : vector<1x800xi32> to vector<1x800xf32>
        %mul3A_428 = arith.mulf %mul3A_418, %convert_element_type3A_427 : vector<1x800xf32>
        %reduce_sum3A_429 = vector.shape_cast %mul3A_428 : vector<1x800xf32> to vector<1x1x800xf32>
        %reduce_sum3A_430 = arith.constant dense<0.000000e+00> : vector<1xf32>
        %reduce_sum3A_431 = vector.multi_reduction <add>, %reduce_sum3A_429, %reduce_sum3A_430 [1, 2] : vector<1x1x800xf32> to vector<1xf32>
        %reduce_sum3A_432 = vector.shape_cast %reduce_sum3A_431 : vector<1xf32> to vector<1x1x1xf32>
        %reduce_sum3A_433 = vector.extract %reduce_sum3A_432[0, 0, 0] : f32 from vector<1x1x1xf32>
        %get3A_434 = arith.index_cast %add3A_422 : i32 to index
        %get3A_435 = arith.constant 0 : index
        %get3A_436 = vector.load %arg3[%get3A_434, %get3A_435] : memref<800x800xf32, #tpu.memory_space<vmem>>, vector<1x800xf32>
        %mul3A_437 = vector.broadcast %reduce_sum3A_433 : f32 to vector<1x800xf32>
        %mul3A_438 = arith.mulf %get3A_436, %mul3A_437 : vector<1x800xf32>
        %sub3A_439 = arith.constant 1.000000e+00 : f32
        %sub3A_440 = vector.broadcast %sub3A_439 : f32 to vector<1x800xf32>
        %sub3A_441 = arith.subf %sub3A_440, %mul3A_438 : vector<1x800xf32>
        %mul3A_442 = arith.mulf %mul3A_418, %sub3A_441 : vector<1x800xf32>
        %mul3A_443 = arith.constant 32 : i32
        %mul3A_444 = arith.muli %scan3A_201, %mul3A_443 : i32
        %add3A_445 = arith.constant 10 : i32
        %add3A_446 = arith.addi %mul3A_444, %add3A_445 : i32
        %convert_element_type3A_447 = arith.sitofp %add3A_446 : i32 to f32
        %eq3A_448 = vector.broadcast %convert_element_type3A_447 : f32 to vector<1x800xf32>
        %eq3A_449 = arith.cmpf oeq, %convert_element_type3A_3, %eq3A_448 : vector<1x800xf32>
        %convert_element_type3A_450 = arith.extui %eq3A_449 : vector<1x800xi1> to vector<1x800xi32>
        %convert_element_type3A_451 = arith.sitofp %convert_element_type3A_450 : vector<1x800xi32> to vector<1x800xf32>
        %mul3A_452 = arith.mulf %mul3A_442, %convert_element_type3A_451 : vector<1x800xf32>
        %reduce_sum3A_453 = vector.shape_cast %mul3A_452 : vector<1x800xf32> to vector<1x1x800xf32>
        %reduce_sum3A_454 = arith.constant dense<0.000000e+00> : vector<1xf32>
        %reduce_sum3A_455 = vector.multi_reduction <add>, %reduce_sum3A_453, %reduce_sum3A_454 [1, 2] : vector<1x1x800xf32> to vector<1xf32>
        %reduce_sum3A_456 = vector.shape_cast %reduce_sum3A_455 : vector<1xf32> to vector<1x1x1xf32>
        %reduce_sum3A_457 = vector.extract %reduce_sum3A_456[0, 0, 0] : f32 from vector<1x1x1xf32>
        %get3A_458 = arith.index_cast %add3A_446 : i32 to index
        %get3A_459 = arith.constant 0 : index
        %get3A_460 = vector.load %arg3[%get3A_458, %get3A_459] : memref<800x800xf32, #tpu.memory_space<vmem>>, vector<1x800xf32>
        %mul3A_461 = vector.broadcast %reduce_sum3A_457 : f32 to vector<1x800xf32>
        %mul3A_462 = arith.mulf %get3A_460, %mul3A_461 : vector<1x800xf32>
        %sub3A_463 = arith.constant 1.000000e+00 : f32
        %sub3A_464 = vector.broadcast %sub3A_463 : f32 to vector<1x800xf32>
        %sub3A_465 = arith.subf %sub3A_464, %mul3A_462 : vector<1x800xf32>
        %mul3A_466 = arith.mulf %mul3A_442, %sub3A_465 : vector<1x800xf32>
        %mul3A_467 = arith.constant 32 : i32
        %mul3A_468 = arith.muli %scan3A_201, %mul3A_467 : i32
        %add3A_469 = arith.constant 11 : i32
        %add3A_470 = arith.addi %mul3A_468, %add3A_469 : i32
        %convert_element_type3A_471 = arith.sitofp %add3A_470 : i32 to f32
        %eq3A_472 = vector.broadcast %convert_element_type3A_471 : f32 to vector<1x800xf32>
        %eq3A_473 = arith.cmpf oeq, %convert_element_type3A_3, %eq3A_472 : vector<1x800xf32>
        %convert_element_type3A_474 = arith.extui %eq3A_473 : vector<1x800xi1> to vector<1x800xi32>
        %convert_element_type3A_475 = arith.sitofp %convert_element_type3A_474 : vector<1x800xi32> to vector<1x800xf32>
        %mul3A_476 = arith.mulf %mul3A_466, %convert_element_type3A_475 : vector<1x800xf32>
        %reduce_sum3A_477 = vector.shape_cast %mul3A_476 : vector<1x800xf32> to vector<1x1x800xf32>
        %reduce_sum3A_478 = arith.constant dense<0.000000e+00> : vector<1xf32>
        %reduce_sum3A_479 = vector.multi_reduction <add>, %reduce_sum3A_477, %reduce_sum3A_478 [1, 2] : vector<1x1x800xf32> to vector<1xf32>
        %reduce_sum3A_480 = vector.shape_cast %reduce_sum3A_479 : vector<1xf32> to vector<1x1x1xf32>
        %reduce_sum3A_481 = vector.extract %reduce_sum3A_480[0, 0, 0] : f32 from vector<1x1x1xf32>
        %get3A_482 = arith.index_cast %add3A_470 : i32 to index
        %get3A_483 = arith.constant 0 : index
        %get3A_484 = vector.load %arg3[%get3A_482, %get3A_483] : memref<800x800xf32, #tpu.memory_space<vmem>>, vector<1x800xf32>
        %mul3A_485 = vector.broadcast %reduce_sum3A_481 : f32 to vector<1x800xf32>
        %mul3A_486 = arith.mulf %get3A_484, %mul3A_485 : vector<1x800xf32>
        %sub3A_487 = arith.constant 1.000000e+00 : f32
        %sub3A_488 = vector.broadcast %sub3A_487 : f32 to vector<1x800xf32>
        %sub3A_489 = arith.subf %sub3A_488, %mul3A_486 : vector<1x800xf32>
        %mul3A_490 = arith.mulf %mul3A_466, %sub3A_489 : vector<1x800xf32>
        %mul3A_491 = arith.constant 32 : i32
        %mul3A_492 = arith.muli %scan3A_201, %mul3A_491 : i32
        %add3A_493 = arith.constant 12 : i32
        %add3A_494 = arith.addi %mul3A_492, %add3A_493 : i32
        %convert_element_type3A_495 = arith.sitofp %add3A_494 : i32 to f32
        %eq3A_496 = vector.broadcast %convert_element_type3A_495 : f32 to vector<1x800xf32>
        %eq3A_497 = arith.cmpf oeq, %convert_element_type3A_3, %eq3A_496 : vector<1x800xf32>
        %convert_element_type3A_498 = arith.extui %eq3A_497 : vector<1x800xi1> to vector<1x800xi32>
        %convert_element_type3A_499 = arith.sitofp %convert_element_type3A_498 : vector<1x800xi32> to vector<1x800xf32>
        %mul3A_500 = arith.mulf %mul3A_490, %convert_element_type3A_499 : vector<1x800xf32>
        %reduce_sum3A_501 = vector.shape_cast %mul3A_500 : vector<1x800xf32> to vector<1x1x800xf32>
        %reduce_sum3A_502 = arith.constant dense<0.000000e+00> : vector<1xf32>
        %reduce_sum3A_503 = vector.multi_reduction <add>, %reduce_sum3A_501, %reduce_sum3A_502 [1, 2] : vector<1x1x800xf32> to vector<1xf32>
        %reduce_sum3A_504 = vector.shape_cast %reduce_sum3A_503 : vector<1xf32> to vector<1x1x1xf32>
        %reduce_sum3A_505 = vector.extract %reduce_sum3A_504[0, 0, 0] : f32 from vector<1x1x1xf32>
        %get3A_506 = arith.index_cast %add3A_494 : i32 to index
        %get3A_507 = arith.constant 0 : index
        %get3A_508 = vector.load %arg3[%get3A_506, %get3A_507] : memref<800x800xf32, #tpu.memory_space<vmem>>, vector<1x800xf32>
        %mul3A_509 = vector.broadcast %reduce_sum3A_505 : f32 to vector<1x800xf32>
        %mul3A_510 = arith.mulf %get3A_508, %mul3A_509 : vector<1x800xf32>
        %sub3A_511 = arith.constant 1.000000e+00 : f32
        %sub3A_512 = vector.broadcast %sub3A_511 : f32 to vector<1x800xf32>
        %sub3A_513 = arith.subf %sub3A_512, %mul3A_510 : vector<1x800xf32>
        %mul3A_514 = arith.mulf %mul3A_490, %sub3A_513 : vector<1x800xf32>
        %mul3A_515 = arith.constant 32 : i32
        %mul3A_516 = arith.muli %scan3A_201, %mul3A_515 : i32
        %add3A_517 = arith.constant 13 : i32
        %add3A_518 = arith.addi %mul3A_516, %add3A_517 : i32
        %convert_element_type3A_519 = arith.sitofp %add3A_518 : i32 to f32
        %eq3A_520 = vector.broadcast %convert_element_type3A_519 : f32 to vector<1x800xf32>
        %eq3A_521 = arith.cmpf oeq, %convert_element_type3A_3, %eq3A_520 : vector<1x800xf32>
        %convert_element_type3A_522 = arith.extui %eq3A_521 : vector<1x800xi1> to vector<1x800xi32>
        %convert_element_type3A_523 = arith.sitofp %convert_element_type3A_522 : vector<1x800xi32> to vector<1x800xf32>
        %mul3A_524 = arith.mulf %mul3A_514, %convert_element_type3A_523 : vector<1x800xf32>
        %reduce_sum3A_525 = vector.shape_cast %mul3A_524 : vector<1x800xf32> to vector<1x1x800xf32>
        %reduce_sum3A_526 = arith.constant dense<0.000000e+00> : vector<1xf32>
        %reduce_sum3A_527 = vector.multi_reduction <add>, %reduce_sum3A_525, %reduce_sum3A_526 [1, 2] : vector<1x1x800xf32> to vector<1xf32>
        %reduce_sum3A_528 = vector.shape_cast %reduce_sum3A_527 : vector<1xf32> to vector<1x1x1xf32>
        %reduce_sum3A_529 = vector.extract %reduce_sum3A_528[0, 0, 0] : f32 from vector<1x1x1xf32>
        %get3A_530 = arith.index_cast %add3A_518 : i32 to index
        %get3A_531 = arith.constant 0 : index
        %get3A_532 = vector.load %arg3[%get3A_530, %get3A_531] : memref<800x800xf32, #tpu.memory_space<vmem>>, vector<1x800xf32>
        %mul3A_533 = vector.broadcast %reduce_sum3A_529 : f32 to vector<1x800xf32>
        %mul3A_534 = arith.mulf %get3A_532, %mul3A_533 : vector<1x800xf32>
        %sub3A_535 = arith.constant 1.000000e+00 : f32
        %sub3A_536 = vector.broadcast %sub3A_535 : f32 to vector<1x800xf32>
        %sub3A_537 = arith.subf %sub3A_536, %mul3A_534 : vector<1x800xf32>
        %mul3A_538 = arith.mulf %mul3A_514, %sub3A_537 : vector<1x800xf32>
        %mul3A_539 = arith.constant 32 : i32
        %mul3A_540 = arith.muli %scan3A_201, %mul3A_539 : i32
        %add3A_541 = arith.constant 14 : i32
        %add3A_542 = arith.addi %mul3A_540, %add3A_541 : i32
        %convert_element_type3A_543 = arith.sitofp %add3A_542 : i32 to f32
        %eq3A_544 = vector.broadcast %convert_element_type3A_543 : f32 to vector<1x800xf32>
        %eq3A_545 = arith.cmpf oeq, %convert_element_type3A_3, %eq3A_544 : vector<1x800xf32>
        %convert_element_type3A_546 = arith.extui %eq3A_545 : vector<1x800xi1> to vector<1x800xi32>
        %convert_element_type3A_547 = arith.sitofp %convert_element_type3A_546 : vector<1x800xi32> to vector<1x800xf32>
        %mul3A_548 = arith.mulf %mul3A_538, %convert_element_type3A_547 : vector<1x800xf32>
        %reduce_sum3A_549 = vector.shape_cast %mul3A_548 : vector<1x800xf32> to vector<1x1x800xf32>
        %reduce_sum3A_550 = arith.constant dense<0.000000e+00> : vector<1xf32>
        %reduce_sum3A_551 = vector.multi_reduction <add>, %reduce_sum3A_549, %reduce_sum3A_550 [1, 2] : vector<1x1x800xf32> to vector<1xf32>
        %reduce_sum3A_552 = vector.shape_cast %reduce_sum3A_551 : vector<1xf32> to vector<1x1x1xf32>
        %reduce_sum3A_553 = vector.extract %reduce_sum3A_552[0, 0, 0] : f32 from vector<1x1x1xf32>
        %get3A_554 = arith.index_cast %add3A_542 : i32 to index
        %get3A_555 = arith.constant 0 : index
        %get3A_556 = vector.load %arg3[%get3A_554, %get3A_555] : memref<800x800xf32, #tpu.memory_space<vmem>>, vector<1x800xf32>
        %mul3A_557 = vector.broadcast %reduce_sum3A_553 : f32 to vector<1x800xf32>
        %mul3A_558 = arith.mulf %get3A_556, %mul3A_557 : vector<1x800xf32>
        %sub3A_559 = arith.constant 1.000000e+00 : f32
        %sub3A_560 = vector.broadcast %sub3A_559 : f32 to vector<1x800xf32>
        %sub3A_561 = arith.subf %sub3A_560, %mul3A_558 : vector<1x800xf32>
        %mul3A_562 = arith.mulf %mul3A_538, %sub3A_561 : vector<1x800xf32>
        %mul3A_563 = arith.constant 32 : i32
        %mul3A_564 = arith.muli %scan3A_201, %mul3A_563 : i32
        %add3A_565 = arith.constant 15 : i32
        %add3A_566 = arith.addi %mul3A_564, %add3A_565 : i32
        %convert_element_type3A_567 = arith.sitofp %add3A_566 : i32 to f32
        %eq3A_568 = vector.broadcast %convert_element_type3A_567 : f32 to vector<1x800xf32>
        %eq3A_569 = arith.cmpf oeq, %convert_element_type3A_3, %eq3A_568 : vector<1x800xf32>
        %convert_element_type3A_570 = arith.extui %eq3A_569 : vector<1x800xi1> to vector<1x800xi32>
        %convert_element_type3A_571 = arith.sitofp %convert_element_type3A_570 : vector<1x800xi32> to vector<1x800xf32>
        %mul3A_572 = arith.mulf %mul3A_562, %convert_element_type3A_571 : vector<1x800xf32>
        %reduce_sum3A_573 = vector.shape_cast %mul3A_572 : vector<1x800xf32> to vector<1x1x800xf32>
        %reduce_sum3A_574 = arith.constant dense<0.000000e+00> : vector<1xf32>
        %reduce_sum3A_575 = vector.multi_reduction <add>, %reduce_sum3A_573, %reduce_sum3A_574 [1, 2] : vector<1x1x800xf32> to vector<1xf32>
        %reduce_sum3A_576 = vector.shape_cast %reduce_sum3A_575 : vector<1xf32> to vector<1x1x1xf32>
        %reduce_sum3A_577 = vector.extract %reduce_sum3A_576[0, 0, 0] : f32 from vector<1x1x1xf32>
        %get3A_578 = arith.index_cast %add3A_566 : i32 to index
        %get3A_579 = arith.constant 0 : index
        %get3A_580 = vector.load %arg3[%get3A_578, %get3A_579] : memref<800x800xf32, #tpu.memory_space<vmem>>, vector<1x800xf32>
        %mul3A_581 = vector.broadcast %reduce_sum3A_577 : f32 to vector<1x800xf32>
        %mul3A_582 = arith.mulf %get3A_580, %mul3A_581 : vector<1x800xf32>
        %sub3A_583 = arith.constant 1.000000e+00 : f32
        %sub3A_584 = vector.broadcast %sub3A_583 : f32 to vector<1x800xf32>
        %sub3A_585 = arith.subf %sub3A_584, %mul3A_582 : vector<1x800xf32>
        %mul3A_586 = arith.mulf %mul3A_562, %sub3A_585 : vector<1x800xf32>
        %mul3A_587 = arith.constant 32 : i32
        %mul3A_588 = arith.muli %scan3A_201, %mul3A_587 : i32
        %add3A_589 = arith.constant 16 : i32
        %add3A_590 = arith.addi %mul3A_588, %add3A_589 : i32
        %convert_element_type3A_591 = arith.sitofp %add3A_590 : i32 to f32
        %eq3A_592 = vector.broadcast %convert_element_type3A_591 : f32 to vector<1x800xf32>
        %eq3A_593 = arith.cmpf oeq, %convert_element_type3A_3, %eq3A_592 : vector<1x800xf32>
        %convert_element_type3A_594 = arith.extui %eq3A_593 : vector<1x800xi1> to vector<1x800xi32>
        %convert_element_type3A_595 = arith.sitofp %convert_element_type3A_594 : vector<1x800xi32> to vector<1x800xf32>
        %mul3A_596 = arith.mulf %mul3A_586, %convert_element_type3A_595 : vector<1x800xf32>
        %reduce_sum3A_597 = vector.shape_cast %mul3A_596 : vector<1x800xf32> to vector<1x1x800xf32>
        %reduce_sum3A_598 = arith.constant dense<0.000000e+00> : vector<1xf32>
        %reduce_sum3A_599 = vector.multi_reduction <add>, %reduce_sum3A_597, %reduce_sum3A_598 [1, 2] : vector<1x1x800xf32> to vector<1xf32>
        %reduce_sum3A_600 = vector.shape_cast %reduce_sum3A_599 : vector<1xf32> to vector<1x1x1xf32>
        %reduce_sum3A_601 = vector.extract %reduce_sum3A_600[0, 0, 0] : f32 from vector<1x1x1xf32>
        %get3A_602 = arith.index_cast %add3A_590 : i32 to index
        %get3A_603 = arith.constant 0 : index
        %get3A_604 = vector.load %arg3[%get3A_602, %get3A_603] : memref<800x800xf32, #tpu.memory_space<vmem>>, vector<1x800xf32>
        %mul3A_605 = vector.broadcast %reduce_sum3A_601 : f32 to vector<1x800xf32>
        %mul3A_606 = arith.mulf %get3A_604, %mul3A_605 : vector<1x800xf32>
        %sub3A_607 = arith.constant 1.000000e+00 : f32
        %sub3A_608 = vector.broadcast %sub3A_607 : f32 to vector<1x800xf32>
        %sub3A_609 = arith.subf %sub3A_608, %mul3A_606 : vector<1x800xf32>
        %mul3A_610 = arith.mulf %mul3A_586, %sub3A_609 : vector<1x800xf32>
        %mul3A_611 = arith.constant 32 : i32
        %mul3A_612 = arith.muli %scan3A_201, %mul3A_611 : i32
        %add3A_613 = arith.constant 17 : i32
        %add3A_614 = arith.addi %mul3A_612, %add3A_613 : i32
        %convert_element_type3A_615 = arith.sitofp %add3A_614 : i32 to f32
        %eq3A_616 = vector.broadcast %convert_element_type3A_615 : f32 to vector<1x800xf32>
        %eq3A_617 = arith.cmpf oeq, %convert_element_type3A_3, %eq3A_616 : vector<1x800xf32>
        %convert_element_type3A_618 = arith.extui %eq3A_617 : vector<1x800xi1> to vector<1x800xi32>
        %convert_element_type3A_619 = arith.sitofp %convert_element_type3A_618 : vector<1x800xi32> to vector<1x800xf32>
        %mul3A_620 = arith.mulf %mul3A_610, %convert_element_type3A_619 : vector<1x800xf32>
        %reduce_sum3A_621 = vector.shape_cast %mul3A_620 : vector<1x800xf32> to vector<1x1x800xf32>
        %reduce_sum3A_622 = arith.constant dense<0.000000e+00> : vector<1xf32>
        %reduce_sum3A_623 = vector.multi_reduction <add>, %reduce_sum3A_621, %reduce_sum3A_622 [1, 2] : vector<1x1x800xf32> to vector<1xf32>
        %reduce_sum3A_624 = vector.shape_cast %reduce_sum3A_623 : vector<1xf32> to vector<1x1x1xf32>
        %reduce_sum3A_625 = vector.extract %reduce_sum3A_624[0, 0, 0] : f32 from vector<1x1x1xf32>
        %get3A_626 = arith.index_cast %add3A_614 : i32 to index
        %get3A_627 = arith.constant 0 : index
        %get3A_628 = vector.load %arg3[%get3A_626, %get3A_627] : memref<800x800xf32, #tpu.memory_space<vmem>>, vector<1x800xf32>
        %mul3A_629 = vector.broadcast %reduce_sum3A_625 : f32 to vector<1x800xf32>
        %mul3A_630 = arith.mulf %get3A_628, %mul3A_629 : vector<1x800xf32>
        %sub3A_631 = arith.constant 1.000000e+00 : f32
        %sub3A_632 = vector.broadcast %sub3A_631 : f32 to vector<1x800xf32>
        %sub3A_633 = arith.subf %sub3A_632, %mul3A_630 : vector<1x800xf32>
        %mul3A_634 = arith.mulf %mul3A_610, %sub3A_633 : vector<1x800xf32>
        %mul3A_635 = arith.constant 32 : i32
        %mul3A_636 = arith.muli %scan3A_201, %mul3A_635 : i32
        %add3A_637 = arith.constant 18 : i32
        %add3A_638 = arith.addi %mul3A_636, %add3A_637 : i32
        %convert_element_type3A_639 = arith.sitofp %add3A_638 : i32 to f32
        %eq3A_640 = vector.broadcast %convert_element_type3A_639 : f32 to vector<1x800xf32>
        %eq3A_641 = arith.cmpf oeq, %convert_element_type3A_3, %eq3A_640 : vector<1x800xf32>
        %convert_element_type3A_642 = arith.extui %eq3A_641 : vector<1x800xi1> to vector<1x800xi32>
        %convert_element_type3A_643 = arith.sitofp %convert_element_type3A_642 : vector<1x800xi32> to vector<1x800xf32>
        %mul3A_644 = arith.mulf %mul3A_634, %convert_element_type3A_643 : vector<1x800xf32>
        %reduce_sum3A_645 = vector.shape_cast %mul3A_644 : vector<1x800xf32> to vector<1x1x800xf32>
        %reduce_sum3A_646 = arith.constant dense<0.000000e+00> : vector<1xf32>
        %reduce_sum3A_647 = vector.multi_reduction <add>, %reduce_sum3A_645, %reduce_sum3A_646 [1, 2] : vector<1x1x800xf32> to vector<1xf32>
        %reduce_sum3A_648 = vector.shape_cast %reduce_sum3A_647 : vector<1xf32> to vector<1x1x1xf32>
        %reduce_sum3A_649 = vector.extract %reduce_sum3A_648[0, 0, 0] : f32 from vector<1x1x1xf32>
        %get3A_650 = arith.index_cast %add3A_638 : i32 to index
        %get3A_651 = arith.constant 0 : index
        %get3A_652 = vector.load %arg3[%get3A_650, %get3A_651] : memref<800x800xf32, #tpu.memory_space<vmem>>, vector<1x800xf32>
        %mul3A_653 = vector.broadcast %reduce_sum3A_649 : f32 to vector<1x800xf32>
        %mul3A_654 = arith.mulf %get3A_652, %mul3A_653 : vector<1x800xf32>
        %sub3A_655 = arith.constant 1.000000e+00 : f32
        %sub3A_656 = vector.broadcast %sub3A_655 : f32 to vector<1x800xf32>
        %sub3A_657 = arith.subf %sub3A_656, %mul3A_654 : vector<1x800xf32>
        %mul3A_658 = arith.mulf %mul3A_634, %sub3A_657 : vector<1x800xf32>
        %mul3A_659 = arith.constant 32 : i32
        %mul3A_660 = arith.muli %scan3A_201, %mul3A_659 : i32
        %add3A_661 = arith.constant 19 : i32
        %add3A_662 = arith.addi %mul3A_660, %add3A_661 : i32
        %convert_element_type3A_663 = arith.sitofp %add3A_662 : i32 to f32
        %eq3A_664 = vector.broadcast %convert_element_type3A_663 : f32 to vector<1x800xf32>
        %eq3A_665 = arith.cmpf oeq, %convert_element_type3A_3, %eq3A_664 : vector<1x800xf32>
        %convert_element_type3A_666 = arith.extui %eq3A_665 : vector<1x800xi1> to vector<1x800xi32>
        %convert_element_type3A_667 = arith.sitofp %convert_element_type3A_666 : vector<1x800xi32> to vector<1x800xf32>
        %mul3A_668 = arith.mulf %mul3A_658, %convert_element_type3A_667 : vector<1x800xf32>
        %reduce_sum3A_669 = vector.shape_cast %mul3A_668 : vector<1x800xf32> to vector<1x1x800xf32>
        %reduce_sum3A_670 = arith.constant dense<0.000000e+00> : vector<1xf32>
        %reduce_sum3A_671 = vector.multi_reduction <add>, %reduce_sum3A_669, %reduce_sum3A_670 [1, 2] : vector<1x1x800xf32> to vector<1xf32>
        %reduce_sum3A_672 = vector.shape_cast %reduce_sum3A_671 : vector<1xf32> to vector<1x1x1xf32>
        %reduce_sum3A_673 = vector.extract %reduce_sum3A_672[0, 0, 0] : f32 from vector<1x1x1xf32>
        %get3A_674 = arith.index_cast %add3A_662 : i32 to index
        %get3A_675 = arith.constant 0 : index
        %get3A_676 = vector.load %arg3[%get3A_674, %get3A_675] : memref<800x800xf32, #tpu.memory_space<vmem>>, vector<1x800xf32>
        %mul3A_677 = vector.broadcast %reduce_sum3A_673 : f32 to vector<1x800xf32>
        %mul3A_678 = arith.mulf %get3A_676, %mul3A_677 : vector<1x800xf32>
        %sub3A_679 = arith.constant 1.000000e+00 : f32
        %sub3A_680 = vector.broadcast %sub3A_679 : f32 to vector<1x800xf32>
        %sub3A_681 = arith.subf %sub3A_680, %mul3A_678 : vector<1x800xf32>
        %mul3A_682 = arith.mulf %mul3A_658, %sub3A_681 : vector<1x800xf32>
        %mul3A_683 = arith.constant 32 : i32
        %mul3A_684 = arith.muli %scan3A_201, %mul3A_683 : i32
        %add3A_685 = arith.constant 20 : i32
        %add3A_686 = arith.addi %mul3A_684, %add3A_685 : i32
        %convert_element_type3A_687 = arith.sitofp %add3A_686 : i32 to f32
        %eq3A_688 = vector.broadcast %convert_element_type3A_687 : f32 to vector<1x800xf32>
        %eq3A_689 = arith.cmpf oeq, %convert_element_type3A_3, %eq3A_688 : vector<1x800xf32>
        %convert_element_type3A_690 = arith.extui %eq3A_689 : vector<1x800xi1> to vector<1x800xi32>
        %convert_element_type3A_691 = arith.sitofp %convert_element_type3A_690 : vector<1x800xi32> to vector<1x800xf32>
        %mul3A_692 = arith.mulf %mul3A_682, %convert_element_type3A_691 : vector<1x800xf32>
        %reduce_sum3A_693 = vector.shape_cast %mul3A_692 : vector<1x800xf32> to vector<1x1x800xf32>
        %reduce_sum3A_694 = arith.constant dense<0.000000e+00> : vector<1xf32>
        %reduce_sum3A_695 = vector.multi_reduction <add>, %reduce_sum3A_693, %reduce_sum3A_694 [1, 2] : vector<1x1x800xf32> to vector<1xf32>
        %reduce_sum3A_696 = vector.shape_cast %reduce_sum3A_695 : vector<1xf32> to vector<1x1x1xf32>
        %reduce_sum3A_697 = vector.extract %reduce_sum3A_696[0, 0, 0] : f32 from vector<1x1x1xf32>
        %get3A_698 = arith.index_cast %add3A_686 : i32 to index
        %get3A_699 = arith.constant 0 : index
        %get3A_700 = vector.load %arg3[%get3A_698, %get3A_699] : memref<800x800xf32, #tpu.memory_space<vmem>>, vector<1x800xf32>
        %mul3A_701 = vector.broadcast %reduce_sum3A_697 : f32 to vector<1x800xf32>
        %mul3A_702 = arith.mulf %get3A_700, %mul3A_701 : vector<1x800xf32>
        %sub3A_703 = arith.constant 1.000000e+00 : f32
        %sub3A_704 = vector.broadcast %sub3A_703 : f32 to vector<1x800xf32>
        %sub3A_705 = arith.subf %sub3A_704, %mul3A_702 : vector<1x800xf32>
        %mul3A_706 = arith.mulf %mul3A_682, %sub3A_705 : vector<1x800xf32>
        %mul3A_707 = arith.constant 32 : i32
        %mul3A_708 = arith.muli %scan3A_201, %mul3A_707 : i32
        %add3A_709 = arith.constant 21 : i32
        %add3A_710 = arith.addi %mul3A_708, %add3A_709 : i32
        %convert_element_type3A_711 = arith.sitofp %add3A_710 : i32 to f32
        %eq3A_712 = vector.broadcast %convert_element_type3A_711 : f32 to vector<1x800xf32>
        %eq3A_713 = arith.cmpf oeq, %convert_element_type3A_3, %eq3A_712 : vector<1x800xf32>
        %convert_element_type3A_714 = arith.extui %eq3A_713 : vector<1x800xi1> to vector<1x800xi32>
        %convert_element_type3A_715 = arith.sitofp %convert_element_type3A_714 : vector<1x800xi32> to vector<1x800xf32>
        %mul3A_716 = arith.mulf %mul3A_706, %convert_element_type3A_715 : vector<1x800xf32>
        %reduce_sum3A_717 = vector.shape_cast %mul3A_716 : vector<1x800xf32> to vector<1x1x800xf32>
        %reduce_sum3A_718 = arith.constant dense<0.000000e+00> : vector<1xf32>
        %reduce_sum3A_719 = vector.multi_reduction <add>, %reduce_sum3A_717, %reduce_sum3A_718 [1, 2] : vector<1x1x800xf32> to vector<1xf32>
        %reduce_sum3A_720 = vector.shape_cast %reduce_sum3A_719 : vector<1xf32> to vector<1x1x1xf32>
        %reduce_sum3A_721 = vector.extract %reduce_sum3A_720[0, 0, 0] : f32 from vector<1x1x1xf32>
        %get3A_722 = arith.index_cast %add3A_710 : i32 to index
        %get3A_723 = arith.constant 0 : index
        %get3A_724 = vector.load %arg3[%get3A_722, %get3A_723] : memref<800x800xf32, #tpu.memory_space<vmem>>, vector<1x800xf32>
        %mul3A_725 = vector.broadcast %reduce_sum3A_721 : f32 to vector<1x800xf32>
        %mul3A_726 = arith.mulf %get3A_724, %mul3A_725 : vector<1x800xf32>
        %sub3A_727 = arith.constant 1.000000e+00 : f32
        %sub3A_728 = vector.broadcast %sub3A_727 : f32 to vector<1x800xf32>
        %sub3A_729 = arith.subf %sub3A_728, %mul3A_726 : vector<1x800xf32>
        %mul3A_730 = arith.mulf %mul3A_706, %sub3A_729 : vector<1x800xf32>
        %mul3A_731 = arith.constant 32 : i32
        %mul3A_732 = arith.muli %scan3A_201, %mul3A_731 : i32
        %add3A_733 = arith.constant 22 : i32
        %add3A_734 = arith.addi %mul3A_732, %add3A_733 : i32
        %convert_element_type3A_735 = arith.sitofp %add3A_734 : i32 to f32
        %eq3A_736 = vector.broadcast %convert_element_type3A_735 : f32 to vector<1x800xf32>
        %eq3A_737 = arith.cmpf oeq, %convert_element_type3A_3, %eq3A_736 : vector<1x800xf32>
        %convert_element_type3A_738 = arith.extui %eq3A_737 : vector<1x800xi1> to vector<1x800xi32>
        %convert_element_type3A_739 = arith.sitofp %convert_element_type3A_738 : vector<1x800xi32> to vector<1x800xf32>
        %mul3A_740 = arith.mulf %mul3A_730, %convert_element_type3A_739 : vector<1x800xf32>
        %reduce_sum3A_741 = vector.shape_cast %mul3A_740 : vector<1x800xf32> to vector<1x1x800xf32>
        %reduce_sum3A_742 = arith.constant dense<0.000000e+00> : vector<1xf32>
        %reduce_sum3A_743 = vector.multi_reduction <add>, %reduce_sum3A_741, %reduce_sum3A_742 [1, 2] : vector<1x1x800xf32> to vector<1xf32>
        %reduce_sum3A_744 = vector.shape_cast %reduce_sum3A_743 : vector<1xf32> to vector<1x1x1xf32>
        %reduce_sum3A_745 = vector.extract %reduce_sum3A_744[0, 0, 0] : f32 from vector<1x1x1xf32>
        %get3A_746 = arith.index_cast %add3A_734 : i32 to index
        %get3A_747 = arith.constant 0 : index
        %get3A_748 = vector.load %arg3[%get3A_746, %get3A_747] : memref<800x800xf32, #tpu.memory_space<vmem>>, vector<1x800xf32>
        %mul3A_749 = vector.broadcast %reduce_sum3A_745 : f32 to vector<1x800xf32>
        %mul3A_750 = arith.mulf %get3A_748, %mul3A_749 : vector<1x800xf32>
        %sub3A_751 = arith.constant 1.000000e+00 : f32
        %sub3A_752 = vector.broadcast %sub3A_751 : f32 to vector<1x800xf32>
        %sub3A_753 = arith.subf %sub3A_752, %mul3A_750 : vector<1x800xf32>
        %mul3A_754 = arith.mulf %mul3A_730, %sub3A_753 : vector<1x800xf32>
        %mul3A_755 = arith.constant 32 : i32
        %mul3A_756 = arith.muli %scan3A_201, %mul3A_755 : i32
        %add3A_757 = arith.constant 23 : i32
        %add3A_758 = arith.addi %mul3A_756, %add3A_757 : i32
        %convert_element_type3A_759 = arith.sitofp %add3A_758 : i32 to f32
        %eq3A_760 = vector.broadcast %convert_element_type3A_759 : f32 to vector<1x800xf32>
        %eq3A_761 = arith.cmpf oeq, %convert_element_type3A_3, %eq3A_760 : vector<1x800xf32>
        %convert_element_type3A_762 = arith.extui %eq3A_761 : vector<1x800xi1> to vector<1x800xi32>
        %convert_element_type3A_763 = arith.sitofp %convert_element_type3A_762 : vector<1x800xi32> to vector<1x800xf32>
        %mul3A_764 = arith.mulf %mul3A_754, %convert_element_type3A_763 : vector<1x800xf32>
        %reduce_sum3A_765 = vector.shape_cast %mul3A_764 : vector<1x800xf32> to vector<1x1x800xf32>
        %reduce_sum3A_766 = arith.constant dense<0.000000e+00> : vector<1xf32>
        %reduce_sum3A_767 = vector.multi_reduction <add>, %reduce_sum3A_765, %reduce_sum3A_766 [1, 2] : vector<1x1x800xf32> to vector<1xf32>
        %reduce_sum3A_768 = vector.shape_cast %reduce_sum3A_767 : vector<1xf32> to vector<1x1x1xf32>
        %reduce_sum3A_769 = vector.extract %reduce_sum3A_768[0, 0, 0] : f32 from vector<1x1x1xf32>
        %get3A_770 = arith.index_cast %add3A_758 : i32 to index
        %get3A_771 = arith.constant 0 : index
        %get3A_772 = vector.load %arg3[%get3A_770, %get3A_771] : memref<800x800xf32, #tpu.memory_space<vmem>>, vector<1x800xf32>
        %mul3A_773 = vector.broadcast %reduce_sum3A_769 : f32 to vector<1x800xf32>
        %mul3A_774 = arith.mulf %get3A_772, %mul3A_773 : vector<1x800xf32>
        %sub3A_775 = arith.constant 1.000000e+00 : f32
        %sub3A_776 = vector.broadcast %sub3A_775 : f32 to vector<1x800xf32>
        %sub3A_777 = arith.subf %sub3A_776, %mul3A_774 : vector<1x800xf32>
        %mul3A_778 = arith.mulf %mul3A_754, %sub3A_777 : vector<1x800xf32>
        %mul3A_779 = arith.constant 32 : i32
        %mul3A_780 = arith.muli %scan3A_201, %mul3A_779 : i32
        %add3A_781 = arith.constant 24 : i32
        %add3A_782 = arith.addi %mul3A_780, %add3A_781 : i32
        %convert_element_type3A_783 = arith.sitofp %add3A_782 : i32 to f32
        %eq3A_784 = vector.broadcast %convert_element_type3A_783 : f32 to vector<1x800xf32>
        %eq3A_785 = arith.cmpf oeq, %convert_element_type3A_3, %eq3A_784 : vector<1x800xf32>
        %convert_element_type3A_786 = arith.extui %eq3A_785 : vector<1x800xi1> to vector<1x800xi32>
        %convert_element_type3A_787 = arith.sitofp %convert_element_type3A_786 : vector<1x800xi32> to vector<1x800xf32>
        %mul3A_788 = arith.mulf %mul3A_778, %convert_element_type3A_787 : vector<1x800xf32>
        %reduce_sum3A_789 = vector.shape_cast %mul3A_788 : vector<1x800xf32> to vector<1x1x800xf32>
        %reduce_sum3A_790 = arith.constant dense<0.000000e+00> : vector<1xf32>
        %reduce_sum3A_791 = vector.multi_reduction <add>, %reduce_sum3A_789, %reduce_sum3A_790 [1, 2] : vector<1x1x800xf32> to vector<1xf32>
        %reduce_sum3A_792 = vector.shape_cast %reduce_sum3A_791 : vector<1xf32> to vector<1x1x1xf32>
        %reduce_sum3A_793 = vector.extract %reduce_sum3A_792[0, 0, 0] : f32 from vector<1x1x1xf32>
        %get3A_794 = arith.index_cast %add3A_782 : i32 to index
        %get3A_795 = arith.constant 0 : index
        %get3A_796 = vector.load %arg3[%get3A_794, %get3A_795] : memref<800x800xf32, #tpu.memory_space<vmem>>, vector<1x800xf32>
        %mul3A_797 = vector.broadcast %reduce_sum3A_793 : f32 to vector<1x800xf32>
        %mul3A_798 = arith.mulf %get3A_796, %mul3A_797 : vector<1x800xf32>
        %sub3A_799 = arith.constant 1.000000e+00 : f32
        %sub3A_800 = vector.broadcast %sub3A_799 : f32 to vector<1x800xf32>
        %sub3A_801 = arith.subf %sub3A_800, %mul3A_798 : vector<1x800xf32>
        %mul3A_802 = arith.mulf %mul3A_778, %sub3A_801 : vector<1x800xf32>
        %mul3A_803 = arith.constant 32 : i32
        %mul3A_804 = arith.muli %scan3A_201, %mul3A_803 : i32
        %add3A_805 = arith.constant 25 : i32
        %add3A_806 = arith.addi %mul3A_804, %add3A_805 : i32
        %convert_element_type3A_807 = arith.sitofp %add3A_806 : i32 to f32
        %eq3A_808 = vector.broadcast %convert_element_type3A_807 : f32 to vector<1x800xf32>
        %eq3A_809 = arith.cmpf oeq, %convert_element_type3A_3, %eq3A_808 : vector<1x800xf32>
        %convert_element_type3A_810 = arith.extui %eq3A_809 : vector<1x800xi1> to vector<1x800xi32>
        %convert_element_type3A_811 = arith.sitofp %convert_element_type3A_810 : vector<1x800xi32> to vector<1x800xf32>
        %mul3A_812 = arith.mulf %mul3A_802, %convert_element_type3A_811 : vector<1x800xf32>
        %reduce_sum3A_813 = vector.shape_cast %mul3A_812 : vector<1x800xf32> to vector<1x1x800xf32>
        %reduce_sum3A_814 = arith.constant dense<0.000000e+00> : vector<1xf32>
        %reduce_sum3A_815 = vector.multi_reduction <add>, %reduce_sum3A_813, %reduce_sum3A_814 [1, 2] : vector<1x1x800xf32> to vector<1xf32>
        %reduce_sum3A_816 = vector.shape_cast %reduce_sum3A_815 : vector<1xf32> to vector<1x1x1xf32>
        %reduce_sum3A_817 = vector.extract %reduce_sum3A_816[0, 0, 0] : f32 from vector<1x1x1xf32>
        %get3A_818 = arith.index_cast %add3A_806 : i32 to index
        %get3A_819 = arith.constant 0 : index
        %get3A_820 = vector.load %arg3[%get3A_818, %get3A_819] : memref<800x800xf32, #tpu.memory_space<vmem>>, vector<1x800xf32>
        %mul3A_821 = vector.broadcast %reduce_sum3A_817 : f32 to vector<1x800xf32>
        %mul3A_822 = arith.mulf %get3A_820, %mul3A_821 : vector<1x800xf32>
        %sub3A_823 = arith.constant 1.000000e+00 : f32
        %sub3A_824 = vector.broadcast %sub3A_823 : f32 to vector<1x800xf32>
        %sub3A_825 = arith.subf %sub3A_824, %mul3A_822 : vector<1x800xf32>
        %mul3A_826 = arith.mulf %mul3A_802, %sub3A_825 : vector<1x800xf32>
        %mul3A_827 = arith.constant 32 : i32
        %mul3A_828 = arith.muli %scan3A_201, %mul3A_827 : i32
        %add3A_829 = arith.constant 26 : i32
        %add3A_830 = arith.addi %mul3A_828, %add3A_829 : i32
        %convert_element_type3A_831 = arith.sitofp %add3A_830 : i32 to f32
        %eq3A_832 = vector.broadcast %convert_element_type3A_831 : f32 to vector<1x800xf32>
        %eq3A_833 = arith.cmpf oeq, %convert_element_type3A_3, %eq3A_832 : vector<1x800xf32>
        %convert_element_type3A_834 = arith.extui %eq3A_833 : vector<1x800xi1> to vector<1x800xi32>
        %convert_element_type3A_835 = arith.sitofp %convert_element_type3A_834 : vector<1x800xi32> to vector<1x800xf32>
        %mul3A_836 = arith.mulf %mul3A_826, %convert_element_type3A_835 : vector<1x800xf32>
        %reduce_sum3A_837 = vector.shape_cast %mul3A_836 : vector<1x800xf32> to vector<1x1x800xf32>
        %reduce_sum3A_838 = arith.constant dense<0.000000e+00> : vector<1xf32>
        %reduce_sum3A_839 = vector.multi_reduction <add>, %reduce_sum3A_837, %reduce_sum3A_838 [1, 2] : vector<1x1x800xf32> to vector<1xf32>
        %reduce_sum3A_840 = vector.shape_cast %reduce_sum3A_839 : vector<1xf32> to vector<1x1x1xf32>
        %reduce_sum3A_841 = vector.extract %reduce_sum3A_840[0, 0, 0] : f32 from vector<1x1x1xf32>
        %get3A_842 = arith.index_cast %add3A_830 : i32 to index
        %get3A_843 = arith.constant 0 : index
        %get3A_844 = vector.load %arg3[%get3A_842, %get3A_843] : memref<800x800xf32, #tpu.memory_space<vmem>>, vector<1x800xf32>
        %mul3A_845 = vector.broadcast %reduce_sum3A_841 : f32 to vector<1x800xf32>
        %mul3A_846 = arith.mulf %get3A_844, %mul3A_845 : vector<1x800xf32>
        %sub3A_847 = arith.constant 1.000000e+00 : f32
        %sub3A_848 = vector.broadcast %sub3A_847 : f32 to vector<1x800xf32>
        %sub3A_849 = arith.subf %sub3A_848, %mul3A_846 : vector<1x800xf32>
        %mul3A_850 = arith.mulf %mul3A_826, %sub3A_849 : vector<1x800xf32>
        %mul3A_851 = arith.constant 32 : i32
        %mul3A_852 = arith.muli %scan3A_201, %mul3A_851 : i32
        %add3A_853 = arith.constant 27 : i32
        %add3A_854 = arith.addi %mul3A_852, %add3A_853 : i32
        %convert_element_type3A_855 = arith.sitofp %add3A_854 : i32 to f32
        %eq3A_856 = vector.broadcast %convert_element_type3A_855 : f32 to vector<1x800xf32>
        %eq3A_857 = arith.cmpf oeq, %convert_element_type3A_3, %eq3A_856 : vector<1x800xf32>
        %convert_element_type3A_858 = arith.extui %eq3A_857 : vector<1x800xi1> to vector<1x800xi32>
        %convert_element_type3A_859 = arith.sitofp %convert_element_type3A_858 : vector<1x800xi32> to vector<1x800xf32>
        %mul3A_860 = arith.mulf %mul3A_850, %convert_element_type3A_859 : vector<1x800xf32>
        %reduce_sum3A_861 = vector.shape_cast %mul3A_860 : vector<1x800xf32> to vector<1x1x800xf32>
        %reduce_sum3A_862 = arith.constant dense<0.000000e+00> : vector<1xf32>
        %reduce_sum3A_863 = vector.multi_reduction <add>, %reduce_sum3A_861, %reduce_sum3A_862 [1, 2] : vector<1x1x800xf32> to vector<1xf32>
        %reduce_sum3A_864 = vector.shape_cast %reduce_sum3A_863 : vector<1xf32> to vector<1x1x1xf32>
        %reduce_sum3A_865 = vector.extract %reduce_sum3A_864[0, 0, 0] : f32 from vector<1x1x1xf32>
        %get3A_866 = arith.index_cast %add3A_854 : i32 to index
        %get3A_867 = arith.constant 0 : index
        %get3A_868 = vector.load %arg3[%get3A_866, %get3A_867] : memref<800x800xf32, #tpu.memory_space<vmem>>, vector<1x800xf32>
        %mul3A_869 = vector.broadcast %reduce_sum3A_865 : f32 to vector<1x800xf32>
        %mul3A_870 = arith.mulf %get3A_868, %mul3A_869 : vector<1x800xf32>
        %sub3A_871 = arith.constant 1.000000e+00 : f32
        %sub3A_872 = vector.broadcast %sub3A_871 : f32 to vector<1x800xf32>
        %sub3A_873 = arith.subf %sub3A_872, %mul3A_870 : vector<1x800xf32>
        %mul3A_874 = arith.mulf %mul3A_850, %sub3A_873 : vector<1x800xf32>
        %mul3A_875 = arith.constant 32 : i32
        %mul3A_876 = arith.muli %scan3A_201, %mul3A_875 : i32
        %add3A_877 = arith.constant 28 : i32
        %add3A_878 = arith.addi %mul3A_876, %add3A_877 : i32
        %convert_element_type3A_879 = arith.sitofp %add3A_878 : i32 to f32
        %eq3A_880 = vector.broadcast %convert_element_type3A_879 : f32 to vector<1x800xf32>
        %eq3A_881 = arith.cmpf oeq, %convert_element_type3A_3, %eq3A_880 : vector<1x800xf32>
        %convert_element_type3A_882 = arith.extui %eq3A_881 : vector<1x800xi1> to vector<1x800xi32>
        %convert_element_type3A_883 = arith.sitofp %convert_element_type3A_882 : vector<1x800xi32> to vector<1x800xf32>
        %mul3A_884 = arith.mulf %mul3A_874, %convert_element_type3A_883 : vector<1x800xf32>
        %reduce_sum3A_885 = vector.shape_cast %mul3A_884 : vector<1x800xf32> to vector<1x1x800xf32>
        %reduce_sum3A_886 = arith.constant dense<0.000000e+00> : vector<1xf32>
        %reduce_sum3A_887 = vector.multi_reduction <add>, %reduce_sum3A_885, %reduce_sum3A_886 [1, 2] : vector<1x1x800xf32> to vector<1xf32>
        %reduce_sum3A_888 = vector.shape_cast %reduce_sum3A_887 : vector<1xf32> to vector<1x1x1xf32>
        %reduce_sum3A_889 = vector.extract %reduce_sum3A_888[0, 0, 0] : f32 from vector<1x1x1xf32>
        %get3A_890 = arith.index_cast %add3A_878 : i32 to index
        %get3A_891 = arith.constant 0 : index
        %get3A_892 = vector.load %arg3[%get3A_890, %get3A_891] : memref<800x800xf32, #tpu.memory_space<vmem>>, vector<1x800xf32>
        %mul3A_893 = vector.broadcast %reduce_sum3A_889 : f32 to vector<1x800xf32>
        %mul3A_894 = arith.mulf %get3A_892, %mul3A_893 : vector<1x800xf32>
        %sub3A_895 = arith.constant 1.000000e+00 : f32
        %sub3A_896 = vector.broadcast %sub3A_895 : f32 to vector<1x800xf32>
        %sub3A_897 = arith.subf %sub3A_896, %mul3A_894 : vector<1x800xf32>
        %mul3A_898 = arith.mulf %mul3A_874, %sub3A_897 : vector<1x800xf32>
        %mul3A_899 = arith.constant 32 : i32
        %mul3A_900 = arith.muli %scan3A_201, %mul3A_899 : i32
        %add3A_901 = arith.constant 29 : i32
        %add3A_902 = arith.addi %mul3A_900, %add3A_901 : i32
        %convert_element_type3A_903 = arith.sitofp %add3A_902 : i32 to f32
        %eq3A_904 = vector.broadcast %convert_element_type3A_903 : f32 to vector<1x800xf32>
        %eq3A_905 = arith.cmpf oeq, %convert_element_type3A_3, %eq3A_904 : vector<1x800xf32>
        %convert_element_type3A_906 = arith.extui %eq3A_905 : vector<1x800xi1> to vector<1x800xi32>
        %convert_element_type3A_907 = arith.sitofp %convert_element_type3A_906 : vector<1x800xi32> to vector<1x800xf32>
        %mul3A_908 = arith.mulf %mul3A_898, %convert_element_type3A_907 : vector<1x800xf32>
        %reduce_sum3A_909 = vector.shape_cast %mul3A_908 : vector<1x800xf32> to vector<1x1x800xf32>
        %reduce_sum3A_910 = arith.constant dense<0.000000e+00> : vector<1xf32>
        %reduce_sum3A_911 = vector.multi_reduction <add>, %reduce_sum3A_909, %reduce_sum3A_910 [1, 2] : vector<1x1x800xf32> to vector<1xf32>
        %reduce_sum3A_912 = vector.shape_cast %reduce_sum3A_911 : vector<1xf32> to vector<1x1x1xf32>
        %reduce_sum3A_913 = vector.extract %reduce_sum3A_912[0, 0, 0] : f32 from vector<1x1x1xf32>
        %get3A_914 = arith.index_cast %add3A_902 : i32 to index
        %get3A_915 = arith.constant 0 : index
        %get3A_916 = vector.load %arg3[%get3A_914, %get3A_915] : memref<800x800xf32, #tpu.memory_space<vmem>>, vector<1x800xf32>
        %mul3A_917 = vector.broadcast %reduce_sum3A_913 : f32 to vector<1x800xf32>
        %mul3A_918 = arith.mulf %get3A_916, %mul3A_917 : vector<1x800xf32>
        %sub3A_919 = arith.constant 1.000000e+00 : f32
        %sub3A_920 = vector.broadcast %sub3A_919 : f32 to vector<1x800xf32>
        %sub3A_921 = arith.subf %sub3A_920, %mul3A_918 : vector<1x800xf32>
        %mul3A_922 = arith.mulf %mul3A_898, %sub3A_921 : vector<1x800xf32>
        %mul3A_923 = arith.constant 32 : i32
        %mul3A_924 = arith.muli %scan3A_201, %mul3A_923 : i32
        %add3A_925 = arith.constant 30 : i32
        %add3A_926 = arith.addi %mul3A_924, %add3A_925 : i32
        %convert_element_type3A_927 = arith.sitofp %add3A_926 : i32 to f32
        %eq3A_928 = vector.broadcast %convert_element_type3A_927 : f32 to vector<1x800xf32>
        %eq3A_929 = arith.cmpf oeq, %convert_element_type3A_3, %eq3A_928 : vector<1x800xf32>
        %convert_element_type3A_930 = arith.extui %eq3A_929 : vector<1x800xi1> to vector<1x800xi32>
        %convert_element_type3A_931 = arith.sitofp %convert_element_type3A_930 : vector<1x800xi32> to vector<1x800xf32>
        %mul3A_932 = arith.mulf %mul3A_922, %convert_element_type3A_931 : vector<1x800xf32>
        %reduce_sum3A_933 = vector.shape_cast %mul3A_932 : vector<1x800xf32> to vector<1x1x800xf32>
        %reduce_sum3A_934 = arith.constant dense<0.000000e+00> : vector<1xf32>
        %reduce_sum3A_935 = vector.multi_reduction <add>, %reduce_sum3A_933, %reduce_sum3A_934 [1, 2] : vector<1x1x800xf32> to vector<1xf32>
        %reduce_sum3A_936 = vector.shape_cast %reduce_sum3A_935 : vector<1xf32> to vector<1x1x1xf32>
        %reduce_sum3A_937 = vector.extract %reduce_sum3A_936[0, 0, 0] : f32 from vector<1x1x1xf32>
        %get3A_938 = arith.index_cast %add3A_926 : i32 to index
        %get3A_939 = arith.constant 0 : index
        %get3A_940 = vector.load %arg3[%get3A_938, %get3A_939] : memref<800x800xf32, #tpu.memory_space<vmem>>, vector<1x800xf32>
        %mul3A_941 = vector.broadcast %reduce_sum3A_937 : f32 to vector<1x800xf32>
        %mul3A_942 = arith.mulf %get3A_940, %mul3A_941 : vector<1x800xf32>
        %sub3A_943 = arith.constant 1.000000e+00 : f32
        %sub3A_944 = vector.broadcast %sub3A_943 : f32 to vector<1x800xf32>
        %sub3A_945 = arith.subf %sub3A_944, %mul3A_942 : vector<1x800xf32>
        %mul3A_946 = arith.mulf %mul3A_922, %sub3A_945 : vector<1x800xf32>
        %mul3A_947 = arith.constant 32 : i32
        %mul3A_948 = arith.muli %scan3A_201, %mul3A_947 : i32
        %add3A_949 = arith.constant 31 : i32
        %add3A_950 = arith.addi %mul3A_948, %add3A_949 : i32
        %convert_element_type3A_951 = arith.sitofp %add3A_950 : i32 to f32
        %eq3A_952 = vector.broadcast %convert_element_type3A_951 : f32 to vector<1x800xf32>
        %eq3A_953 = arith.cmpf oeq, %convert_element_type3A_3, %eq3A_952 : vector<1x800xf32>
        %convert_element_type3A_954 = arith.extui %eq3A_953 : vector<1x800xi1> to vector<1x800xi32>
        %convert_element_type3A_955 = arith.sitofp %convert_element_type3A_954 : vector<1x800xi32> to vector<1x800xf32>
        %mul3A_956 = arith.mulf %mul3A_946, %convert_element_type3A_955 : vector<1x800xf32>
        %reduce_sum3A_957 = vector.shape_cast %mul3A_956 : vector<1x800xf32> to vector<1x1x800xf32>
        %reduce_sum3A_958 = arith.constant dense<0.000000e+00> : vector<1xf32>
        %reduce_sum3A_959 = vector.multi_reduction <add>, %reduce_sum3A_957, %reduce_sum3A_958 [1, 2] : vector<1x1x800xf32> to vector<1xf32>
        %reduce_sum3A_960 = vector.shape_cast %reduce_sum3A_959 : vector<1xf32> to vector<1x1x1xf32>
        %reduce_sum3A_961 = vector.extract %reduce_sum3A_960[0, 0, 0] : f32 from vector<1x1x1xf32>
        %get3A_962 = arith.index_cast %add3A_950 : i32 to index
        %get3A_963 = arith.constant 0 : index
        %get3A_964 = vector.load %arg3[%get3A_962, %get3A_963] : memref<800x800xf32, #tpu.memory_space<vmem>>, vector<1x800xf32>
        %mul3A_965 = vector.broadcast %reduce_sum3A_961 : f32 to vector<1x800xf32>
        %mul3A_966 = arith.mulf %get3A_964, %mul3A_965 : vector<1x800xf32>
        %sub3A_967 = arith.constant 1.000000e+00 : f32
        %sub3A_968 = vector.broadcast %sub3A_967 : f32 to vector<1x800xf32>
        %sub3A_969 = arith.subf %sub3A_968, %mul3A_966 : vector<1x800xf32>
        %mul3A_970 = arith.mulf %mul3A_946, %sub3A_969 : vector<1x800xf32>
        scf.yield %mul3A_970 : vector<1x800xf32>
      }
      %scan3A_127 = arith.constant 25 : i32
      %broadcast_in_dim3A_128 = arith.constant 0.000000e+00 : f32
      %broadcast_in_dim3A_129 = vector.broadcast %broadcast_in_dim3A_128 : f32 to vector<1x1xf32>
      %slice3A_130 = vector.extract_strided_slice %scan3A_126 {offsets = [0, 0], sizes = [1, 799], strides = [1, 1]} : vector<1x800xf32> to vector<1x799xf32>
      %concatenate3A = tpu.concatenate %broadcast_in_dim3A_129, %slice3A_130 in 1 : vector<1x1xf32>, vector<1x799xf32> -> vector<1x800xf32>
      %add3A_131 = arith.addf %scan3A_126, %concatenate3A : vector<1x800xf32>
      %broadcast_in_dim3A_132 = arith.constant 0.000000e+00 : f32
      %broadcast_in_dim3A_133 = vector.broadcast %broadcast_in_dim3A_132 : f32 to vector<1x2xf32>
      %slice3A_134 = vector.extract_strided_slice %add3A_131 {offsets = [0, 0], sizes = [1, 798], strides = [1, 1]} : vector<1x800xf32> to vector<1x798xf32>
      %concatenate3A_135 = tpu.concatenate %broadcast_in_dim3A_133, %slice3A_134 in 1 : vector<1x2xf32>, vector<1x798xf32> -> vector<1x800xf32>
      %add3A_136 = arith.addf %add3A_131, %concatenate3A_135 : vector<1x800xf32>
      %broadcast_in_dim3A_137 = arith.constant 0.000000e+00 : f32
      %broadcast_in_dim3A_138 = vector.broadcast %broadcast_in_dim3A_137 : f32 to vector<1x4xf32>
      %slice3A_139 = vector.extract_strided_slice %add3A_136 {offsets = [0, 0], sizes = [1, 796], strides = [1, 1]} : vector<1x800xf32> to vector<1x796xf32>
      %concatenate3A_140 = tpu.concatenate %broadcast_in_dim3A_138, %slice3A_139 in 1 : vector<1x4xf32>, vector<1x796xf32> -> vector<1x800xf32>
      %add3A_141 = arith.addf %add3A_136, %concatenate3A_140 : vector<1x800xf32>
      %broadcast_in_dim3A_142 = arith.constant 0.000000e+00 : f32
      %broadcast_in_dim3A_143 = vector.broadcast %broadcast_in_dim3A_142 : f32 to vector<1x8xf32>
      %slice3A_144 = vector.extract_strided_slice %add3A_141 {offsets = [0, 0], sizes = [1, 792], strides = [1, 1]} : vector<1x800xf32> to vector<1x792xf32>
      %concatenate3A_145 = tpu.concatenate %broadcast_in_dim3A_143, %slice3A_144 in 1 : vector<1x8xf32>, vector<1x792xf32> -> vector<1x800xf32>
      %add3A_146 = arith.addf %add3A_141, %concatenate3A_145 : vector<1x800xf32>
      %broadcast_in_dim3A_147 = arith.constant 0.000000e+00 : f32
      %broadcast_in_dim3A_148 = vector.broadcast %broadcast_in_dim3A_147 : f32 to vector<1x16xf32>
      %slice3A_149 = vector.extract_strided_slice %add3A_146 {offsets = [0, 0], sizes = [1, 784], strides = [1, 1]} : vector<1x800xf32> to vector<1x784xf32>
      %concatenate3A_150 = tpu.concatenate %broadcast_in_dim3A_148, %slice3A_149 in 1 : vector<1x16xf32>, vector<1x784xf32> -> vector<1x800xf32>
      %add3A_151 = arith.addf %add3A_146, %concatenate3A_150 : vector<1x800xf32>
      %broadcast_in_dim3A_152 = arith.constant 0.000000e+00 : f32
      %broadcast_in_dim3A_153 = vector.broadcast %broadcast_in_dim3A_152 : f32 to vector<1x32xf32>
      %slice3A_154 = vector.extract_strided_slice %add3A_151 {offsets = [0, 0], sizes = [1, 768], strides = [1, 1]} : vector<1x800xf32> to vector<1x768xf32>
      %concatenate3A_155 = tpu.concatenate %broadcast_in_dim3A_153, %slice3A_154 in 1 : vector<1x32xf32>, vector<1x768xf32> -> vector<1x800xf32>
      %add3A_156 = arith.addf %add3A_151, %concatenate3A_155 : vector<1x800xf32>
      %broadcast_in_dim3A_157 = arith.constant 0.000000e+00 : f32
      %broadcast_in_dim3A_158 = vector.broadcast %broadcast_in_dim3A_157 : f32 to vector<1x64xf32>
      %slice3A_159 = vector.extract_strided_slice %add3A_156 {offsets = [0, 0], sizes = [1, 736], strides = [1, 1]} : vector<1x800xf32> to vector<1x736xf32>
      %concatenate3A_160 = tpu.concatenate %broadcast_in_dim3A_158, %slice3A_159 in 1 : vector<1x64xf32>, vector<1x736xf32> -> vector<1x800xf32>
      %add3A_161 = arith.addf %add3A_156, %concatenate3A_160 : vector<1x800xf32>
      %broadcast_in_dim3A_162 = arith.constant 0.000000e+00 : f32
      %broadcast_in_dim3A_163 = vector.broadcast %broadcast_in_dim3A_162 : f32 to vector<1x128xf32>
      %slice3A_164 = vector.extract_strided_slice %add3A_161 {offsets = [0, 0], sizes = [1, 672], strides = [1, 1]} : vector<1x800xf32> to vector<1x672xf32>
      %concatenate3A_165 = tpu.concatenate %broadcast_in_dim3A_163, %slice3A_164 in 1 : vector<1x128xf32>, vector<1x672xf32> -> vector<1x800xf32>
      %add3A_166 = arith.addf %add3A_161, %concatenate3A_165 : vector<1x800xf32>
      %broadcast_in_dim3A_167 = arith.constant 0.000000e+00 : f32
      %broadcast_in_dim3A_168 = vector.broadcast %broadcast_in_dim3A_167 : f32 to vector<1x256xf32>
      %slice3A_169 = vector.extract_strided_slice %add3A_166 {offsets = [0, 0], sizes = [1, 544], strides = [1, 1]} : vector<1x800xf32> to vector<1x544xf32>
      %concatenate3A_170 = tpu.concatenate %broadcast_in_dim3A_168, %slice3A_169 in 1 : vector<1x256xf32>, vector<1x544xf32> -> vector<1x800xf32>
      %add3A_171 = arith.addf %add3A_166, %concatenate3A_170 : vector<1x800xf32>
      %broadcast_in_dim3A_172 = arith.constant 0.000000e+00 : f32
      %broadcast_in_dim3A_173 = vector.broadcast %broadcast_in_dim3A_172 : f32 to vector<1x512xf32>
      %slice3A_174 = vector.extract_strided_slice %add3A_171 {offsets = [0, 0], sizes = [1, 288], strides = [1, 1]} : vector<1x800xf32> to vector<1x288xf32>
      %concatenate3A_175 = tpu.concatenate %broadcast_in_dim3A_173, %slice3A_174 in 1 : vector<1x512xf32>, vector<1x288xf32> -> vector<1x800xf32>
      %add3A_176 = arith.addf %add3A_171, %concatenate3A_175 : vector<1x800xf32>
      %le3A = arith.constant 4.000000e+02 : f32
      %le3A_177 = vector.broadcast %le3A : f32 to vector<1x800xf32>
      %le3A_178 = arith.cmpf ole, %add3A_176, %le3A_177 : vector<1x800xf32>
      %convert_element_type3A_179 = arith.extui %le3A_178 : vector<1x800xi1> to vector<1x800xi32>
      %convert_element_type3A_180 = arith.sitofp %convert_element_type3A_179 : vector<1x800xi32> to vector<1x800xf32>
      %mul3A_181 = arith.mulf %scan3A_126, %convert_element_type3A_180 : vector<1x800xf32>
      %lt3A_182 = vector.broadcast %convert_element_type3A_34 : f32 to vector<1x800xf32>
      %lt3A_183 = arith.cmpf olt, %convert_element_type3A_3, %lt3A_182 : vector<1x800xf32>
      %gt3A_184 = arith.constant 0.000000e+00 : f32
      %gt3A_185 = vector.broadcast %gt3A_184 : f32 to vector<1x800xf32>
      %gt3A_186 = arith.cmpf ogt, %mul3A_181, %gt3A_185 : vector<1x800xf32>
      %and3A_187 = arith.andi %lt3A_183, %gt3A_186 : vector<1x800xi1>
      %slice3A_188 = vector.extract_strided_slice %dot_general3A_53 {offsets = [0, 0], sizes = [1, 800], strides = [1, 1]} : vector<5x800xf32> to vector<1x800xf32>
      %jit3A_189 = arith.constant 0xFF800000 : f32
      %broadcast_in_dim3A_190 = vector.broadcast %jit3A_189 : f32 to vector<1x800xf32>
      %select_n3A_191 = arith.select %and3A_187, %slice3A_188, %broadcast_in_dim3A_190 : vector<1x800xi1>, vector<1x800xf32>
      %swap3A_192 = arith.index_cast %scan3A_21 : i32 to index
      %swap3A_193 = arith.constant 0 : index
      %swap3A_194 = vector.load %arg4[%swap3A_192, %swap3A_193] : memref<20x800xf32, #tpu.memory_space<vmem>>, vector<1x800xf32>
      tpu.vector_store %arg4[%swap3A_192, %swap3A_193], %select_n3A_191 {strides = array<i32>} : memref<20x800xf32, #tpu.memory_space<vmem>>, vector<1x800xf32>,
      %slice3A_195 = vector.extract_strided_slice %dot_general3A_53 {offsets = [1, 0], sizes = [4, 800], strides = [1, 1]} : vector<5x800xf32> to vector<4x800xf32>
      %reshape3A_196 = vector.shape_cast %slice3A_195 : vector<4x800xf32> to vector<1x4x800xf32>
      %swap3A_197 = arith.index_cast %scan3A_21 : i32 to index
      %swap3A_198 = arith.constant 0 : index
      %swap3A_199 = arith.constant 0 : index
      %swap3A_200 = vector.load %arg5[%swap3A_197, %swap3A_198, %swap3A_199] : memref<20x4x800xf32, #tpu.memory_space<vmem>>, vector<1x4x800xf32>
      tpu.vector_store %arg5[%swap3A_197, %swap3A_198, %swap3A_199], %reshape3A_196 {strides = array<i32>} : memref<20x4x800xf32, #tpu.memory_space<vmem>>, vector<1x4x800xf32>,
    }
    %scan3A_7 = arith.constant 20 : i32
    %iota3A_8 = tpu.iota {dimensions = array<i32: 0>} : vector<20x800xi32>
    %convert_element_type3A_9 = arith.sitofp %iota3A_8 : vector<20x800xi32> to vector<20x800xf32>
    %mul3A = arith.constant 8.000000e+02 : f32
    %mul3A_10 = vector.broadcast %mul3A : f32 to vector<20x800xf32>
    %mul3A_11 = arith.mulf %convert_element_type3A_9, %mul3A_10 : vector<20x800xf32>
    %iota3A_12 = tpu.iota {dimensions = array<i32: 1>} : vector<20x800xi32>
    %convert_element_type3A_13 = arith.sitofp %iota3A_12 : vector<20x800xi32> to vector<20x800xf32>
    %add3A = arith.addf %mul3A_11, %convert_element_type3A_13 : vector<20x800xf32>
    %iota3A_14 = tpu.iota {dimensions = array<i32: 2>} : vector<1x1x800xi32>
    %convert_element_type3A_15 = arith.sitofp %iota3A_14 : vector<1x1x800xi32> to vector<1x1x800xf32>
    %scan3A_16 = arith.constant 0 : i32
    %scan3A_17 = arith.constant 200 : i32
    %scan3A_18 = arith.addi %scan3A_16, %scan3A_17 : i32
    %scan3A_19 = arith.constant 1 : i32
    scf.for %scan3A_21 = %scan3A_16 to %scan3A_18 step %scan3A_19  : i32 {
      %get3A = arith.constant 0 : index
      %get3A_22 = arith.constant 0 : index
      %get3A_23 = vector.load %arg4[%get3A, %get3A_22] : memref<20x800xf32, #tpu.memory_space<vmem>>, vector<20x800xf32>
      %reduce_max3A = vector.shape_cast %get3A_23 : vector<20x800xf32> to vector<1x20x800xf32>
      %reduce_max3A_24 = arith.constant dense<0xFF800000> : vector<1xf32>
      %reduce_max3A_25 = vector.multi_reduction <maximumf>, %reduce_max3A, %reduce_max3A_24 [1, 2] : vector<1x20x800xf32> to vector<1xf32>
      %reduce_max3A_26 = vector.shape_cast %reduce_max3A_25 : vector<1xf32> to vector<1x1x1xf32>
      %reduce_max3A_27 = vector.extract %reduce_max3A_26[0, 0, 0] : f32 from vector<1x1x1xf32>
      %eq3A = vector.broadcast %reduce_max3A_27 : f32 to vector<20x800xf32>
      %eq3A_28 = arith.cmpf oeq, %get3A_23, %eq3A : vector<20x800xf32>
      %jit3A = arith.constant 1.000000e+09 : f32
      %broadcast_in_dim3A = vector.broadcast %jit3A : f32 to vector<20x800xf32>
      %select_n3A = arith.select %eq3A_28, %add3A, %broadcast_in_dim3A : vector<20x800xi1>, vector<20x800xf32>
      %reduce_min3A = vector.shape_cast %select_n3A : vector<20x800xf32> to vector<1x20x800xf32>
      %reduce_min3A_29 = arith.constant dense<0x7F800000> : vector<1xf32>
      %reduce_min3A_30 = vector.multi_reduction <minimumf>, %reduce_min3A, %reduce_min3A_29 [1, 2] : vector<1x20x800xf32> to vector<1xf32>
      %reduce_min3A_31 = vector.shape_cast %reduce_min3A_30 : vector<1xf32> to vector<1x1x1xf32>
      %reduce_min3A_32 = vector.extract %reduce_min3A_31[0, 0, 0] : f32 from vector<1x1x1xf32>
      %mul3A_33 = arith.constant 1.250000e-03 : f32
      %mul3A_34 = arith.mulf %reduce_min3A_32, %mul3A_33 : f32
      %floor3A = math.floor %mul3A_34 : f32
      %mul3A_35 = arith.constant 8.000000e+02 : f32
      %mul3A_36 = arith.mulf %floor3A, %mul3A_35 : f32
      %sub3A = arith.subf %reduce_min3A_32, %mul3A_36 : f32
      %gt3A = arith.constant -1.000000e+30 : f32
      %gt3A_37 = arith.cmpf ogt, %reduce_max3A_27, %gt3A : f32
      %convert_element_type3A_38 = arith.fptosi %floor3A : f32 to i32
      %get3A_39 = arith.index_cast %convert_element_type3A_38 : i32 to index
      %get3A_40 = arith.constant 0 : index
      %get3A_41 = arith.constant 0 : index
      %get3A_42 = vector.load %arg5[%get3A_39, %get3A_40, %get3A_41] : memref<20x4x800xf32, #tpu.memory_space<vmem>>, vector<1x4x800xf32>
      %eq3A_43 = vector.broadcast %sub3A : f32 to vector<1x1x800xf32>
      %eq3A_44 = arith.cmpf oeq, %convert_element_type3A_15, %eq3A_43 : vector<1x1x800xf32>
      %convert_element_type3A_45 = arith.extui %eq3A_44 : vector<1x1x800xi1> to vector<1x1x800xi32>
      %convert_element_type3A_46 = arith.sitofp %convert_element_type3A_45 : vector<1x1x800xi32> to vector<1x1x800xf32>
      %mul3A_47 = vector.broadcast %convert_element_type3A_46 : vector<1x1x800xf32> to vector<1x4x800xf32>
      %mul3A_48 = arith.mulf %get3A_42, %mul3A_47 : vector<1x4x800xf32>
      %reduce_sum3A = arith.constant dense<0.000000e+00> : vector<1x4xf32>
      %reduce_sum3A_49 = vector.multi_reduction <add>, %mul3A_48, %reduce_sum3A [2] : vector<1x4x800xf32> to vector<1x4xf32>
      %jit3A_50 = arith.constant 0.000000e+00 : f32
      %broadcast_in_dim3A_51 = vector.broadcast %jit3A_50 : f32 to vector<1x4xf32>
      %select_n3A_52 = arith.select %gt3A_37, %reduce_sum3A_49, %broadcast_in_dim3A_51 : vector<1x4xf32>
      %jit3A_53 = arith.constant 0.000000e+00 : f32
      %select_n3A_54 = arith.select %gt3A_37, %floor3A, %jit3A_53 : f32
      %add3A_55 = arith.constant 1.000000e+00 : f32
      %add3A_56 = arith.addf %select_n3A_54, %add3A_55 : f32
      %jit3A_57 = arith.constant 0.000000e+00 : f32
      %select_n3A_58 = arith.select %gt3A_37, %reduce_max3A_27, %jit3A_57 : f32
      %reshape3A = vector.broadcast %add3A_56 : f32 to vector<1x1xf32>
      %reshape3A_59 = vector.broadcast %select_n3A_58 : f32 to vector<1x1xf32>
      %concatenate3A = tpu.concatenate %reshape3A, %reshape3A_59, %select_n3A_52 in 1 : vector<1x1xf32>, vector<1x1xf32>, vector<1x4xf32> -> vector<1x6xf32>
      %swap3A = arith.constant 0 : index
      %swap3A_60 = arith.index_cast %scan3A_21 : i32 to index
      %swap3A_61 = arith.constant 0 : index
      %swap3A_62 = vector.load %arg2[%swap3A, %swap3A_60, %swap3A_61] : memref<1x200x6xf32, #tpu.memory_space<vmem>>, vector<1x1x6xf32>
      %swap3A_63 = vector.shape_cast %swap3A_62 : vector<1x1x6xf32> to vector<1x6xf32>
      %swap3A_64 = vector.shape_cast %concatenate3A : vector<1x6xf32> to vector<1x1x6xf32>
      tpu.vector_store %arg2[%swap3A, %swap3A_60, %swap3A_61], %swap3A_64 {strides = array<i32>} : memref<1x200x6xf32, #tpu.memory_space<vmem>>, vector<1x1x6xf32>,
      %eq3A_65 = vector.broadcast %reduce_min3A_32 : f32 to vector<20x800xf32>
      %eq3A_66 = arith.cmpf oeq, %add3A, %eq3A_65 : vector<20x800xf32>
      %jit3A_67 = arith.constant 0xFF800000 : f32
      %broadcast_in_dim3A_68 = vector.broadcast %jit3A_67 : f32 to vector<20x800xf32>
      %select_n3A_69 = arith.select %eq3A_66, %broadcast_in_dim3A_68, %get3A_23 : vector<20x800xi1>, vector<20x800xf32>
      %swap3A_70 = arith.constant 0 : index
      %swap3A_71 = arith.constant 0 : index
      %swap3A_72 = vector.load %arg4[%swap3A_70, %swap3A_71] : memref<20x800xf32, #tpu.memory_space<vmem>>, vector<20x800xf32>
      tpu.vector_store %arg4[%swap3A_70, %swap3A_71], %select_n3A_69 {strides = array<i32>} : memref<20x800xf32, #tpu.memory_space<vmem>>, vector<20x800xf32>,
    }
    %scan3A_20 = arith.constant 200 : i32
    return
  }
  func.func @transform_0(%arg0: i32) -> (i32, i32, i32, i32) {
    %c0_i32 = arith.constant 0 : i32
    %c0_i32_0 = arith.constant 0 : i32
    %c0_i32_1 = arith.constant 0 : i32
    %c0_i32_2 = arith.constant 0 : i32
    return %arg0, %c0_i32, %c0_i32_0, %c0_i32_1 : i32, i32, i32, i32
  }
  func.func @transform_1(%arg0: i32) -> (i32, i32, i32) {
    %c0_i32 = arith.constant 0 : i32
    %c0_i32_0 = arith.constant 0 : i32
    %c0_i32_1 = arith.constant 0 : i32
    return %arg0, %c0_i32, %c0_i32_0 : i32, i32, i32
  }
}

</mosaic_0001>

<sc_bundles>
// kernel: kernel.5.cloned.1.call-start
scs
__scs_entry_jumppad:
0x0: {  	(pc) =	sbr.rel $0x88, $3  }
0x1: {  	(tag) =	ssettag $0x0;
	lr =	simm.s32 $0x1  }
0x2: {  	[smem:$0x3FA0] =	sst lr;
	_ =	strace $0xD0000000  }
0x3: {  	_ = 	snop  }
0x4: {  	_ = 	snop  }
0x5: {  	_ = 	snop  }
0x6: {  	_ = 	snop  }
0x7: {  	_ = 	snop  }
__scs_overlays_trampoline_lowered:
0x8: {  	[smem:$0x3FAF] =	sst s0  }
0x9: {  	[smem:$0x3FB0] =	sst s1  }
0xa: {  	[smem:$0x3FB1] =	sst s2  }
0xb: {  	[smem:$0x3FB2] =	sst s3  }
0xc: {  	[smem:$0x3FB3] =	sst s4  }
0xd: {  	[smem:$0x3FB4] =	sst s5  }
0xe: {  	[smem:$0x3FB5] =	sst s6  }
0xf: {  	[smem:$0x3FB6] =	sst s7  }
0x10: {  	[smem:$0x3FB7] =	sst s8  }
0x11: {  	[smem:$0x3FB8] =	sst s9;
	s0 =	simm.s32 @!p0 $0x0  }
0x12: {  	s1 =	sld [smem:$0x3F9E];
	s0 =	simm.s32 @p0 $0x1  }
0x13: {  	[smem:$0x3FB9] =	sst s0;
	s0 =	simm.s32 @!p1 $0x0  }
0x14: {  	s2 =	sld [smem:$0x3F9D];
	s0 =	simm.s32 @p1 $0x1  }
0x15: {  	[smem:$0x3FBA] =	sst s0;
	s0 =	simm.s32 @!p2 $0x0  }
0x16: {  	s3 =	sld [smem:$0x3FDB];
	s0 =	simm.s32 @p2 $0x1  }
0x17: {  	s4 =	simm.s32 $0x1BF5;
	[smem:$0x3FBC] =	sst s0  }
0x18: {  	s0 =	sld [smem:$0x3F9F];
	_ =	swait.ge [sflag:s4], $0x0  }
0x19: {  	s7 =	sld [smem:$0x3FA0]  }
0x1a: {  	s8 =	sadd.s32 $0xFFFFE003, lr  }
0x1b: {  	s9 =	sadd.s32 $0xFFFFFEF7, lr;
	s5 =	simm.s32 $0xFFFFFFFF;
	p2 =	slt.u32 s8, $0xFFFFF086  }
0x1c: {  	p1 =	slt.u32 s9, $0xF7A;
	s5 =	simm.s32 @!p2 $0x0  }
0x1d: {  	s5 =	simm.s32 @p1 $0x1;
	p0 =	seq.s32 s7, s2  }
0x1e: {  	s7 =	smul.u32 @!p0 $0xF7A, s2;
	p2 =	seq.s32 @!p0 s5, $0x0  }
0x1f: {  	s9 =	smul.u32 $0xF7A, s1;
	s8 =	simm.s32 @!p0 $0x1BF5;
	p2 =	por !p2, p0  }
0x20: {  	[sflag:s8] =	ssyncset.s32 @!p0 $0xFFFFF086;
	s6 =	sadd.s32 @!p0 s3, s7;
	s7 =	simm.s32 @!p0 $0x108  }
0x21: {  	s3 =	sadd.s32 s3, s9;
	s6 =	sadd.s32 @!p0 $0x88, s6;
	s7 =	simm.s32 @p2 $0x1082  }
0x22: {  	[simem:s7], [sflag:s8] =	dma.local @!p0 [hbm:s6], $0xF7A  }
0x23: {  	s9 =	sor.u32 $0xD0000000, s2;
	s6 =	simm.s32 $0x108;
	_ =	swait.ge @!p0 [sflag:s8], $0x0  }
0x24: {  	s3 =	sadd.s32 $0x88, s3;
	s6 =	simm.s32 @!p1 $0x1082;
	[sflag:s4] =	ssyncset.s32 $0xFFFFF086  }
0x25: {  	[simem:s6], [sflag:s4] =	dma.local [hbm:s3], $0xF7A  }
0x26: {  	[smem:$0x3FA0] =	sst s1;
	(tag) =	ssettag s2;
	_ =	strace s9  }
0x27: {  	s1 =	sld [smem:$0x3FB0]  }
0x28: {  	s2 =	sld [smem:$0x3FB1]  }
0x29: {  	s4 =	sld [smem:$0x3FB3]  }
0x2a: {  	p0 =	seq.s32 s5, $0x0;
	s5 =	sld [smem:$0x3FB4]  }
0x2b: {  	s6 =	sld [smem:$0x3FB5]  }
0x2c: {  	s7 =	sld [smem:$0x3FB6]  }
0x2d: {  	s3 =	simm.s32 $0x108;
	s8 =	sld [smem:$0x3FB7]  }
0x2e: {  	s3 =	simm.s32 @!p0 $0x1082;
	s9 =	sld [smem:$0x3FB8]  }
0x2f: {  	lr =	sadd.s32 s0, s3;
	s0 =	sld [smem:$0x3FAF]  }
0x30: {  	s3 =	sld [smem:$0x3FB2]  }
0x31: {  	[smem:$0x3FBB] =	sst s10  }
0x32: {  	s10 =	sld [smem:$0x3FB9];
	_ =	sdelay $0x3  }
0x33: {  	p0 =	seq.s32 s10, $0x1;
	s10 =	sld [smem:$0x3FBB];
	_ =	sdelay $0x3  }
0x34: {  	[smem:$0x3FBB] =	sst s10  }
0x35: {  	s10 =	sld [smem:$0x3FBA];
	_ =	sdelay $0x3  }
0x36: {  	p1 =	seq.s32 s10, $0x1;
	s10 =	sld [smem:$0x3FBB];
	_ =	sdelay $0x3  }
0x37: {  	[smem:$0x3FBB] =	sst s10  }
0x38: {  	s10 =	sld [smem:$0x3FBC]  }
0x39: {  	_ = 	snop;
	(pc) =	sbr.ind lr, $3  }
0x3a: {  	_ = 	snop  }
0x3b: {  	_ = 	snop  }
0x3c: {  	p2 =	seq.s32 s10, $0x1;
	s10 =	sld [smem:$0x3FBB]  }
0x3d: {  	_ =	shalt  }
0x3e: {  	_ =	shalt  }
0x3f: {  	_ =	shalt  }
0x40: {  	_ =	shalt  }
0x41: {  	_ =	shalt  }
0x42: {  	_ =	shalt  }
0x43: {  	_ =	shalt  }
0x44: {  	_ =	shalt  }
0x45: {  	_ =	shalt  }
0x46: {  	_ =	shalt  }
0x47: {  	_ =	shalt  }
0x48: {  	_ =	shalt  }
0x49: {  	_ =	shalt  }
0x4a: {  	_ =	shalt  }
0x4b: {  	_ =	shalt  }
0x4c: {  	_ =	shalt  }
0x4d: {  	_ =	shalt  }
0x4e: {  	_ =	shalt  }
0x4f: {  	_ =	shalt  }
0x50: {  	_ =	shalt  }
0x51: {  	_ =	shalt  }
0x52: {  	_ =	shalt  }
0x53: {  	_ =	shalt  }
0x54: {  	_ =	shalt  }
0x55: {  	_ =	shalt  }
0x56: {  	_ =	shalt  }
0x57: {  	_ =	shalt  }
0x58: {  	_ =	shalt  }
0x59: {  	_ =	shalt  }
0x5a: {  	_ =	shalt  }
0x5b: {  	_ =	shalt  }
0x5c: {  	_ =	shalt  }
0x5d: {  	_ =	shalt  }
0x5e: {  	_ =	shalt  }
0x5f: {  	_ =	shalt  }
0x60: {  	_ =	shalt  }
0x61: {  	_ =	shalt  }
0x62: {  	_ =	shalt  }
0x63: {  	_ =	shalt  }
0x64: {  	_ =	shalt  }
0x65: {  	_ =	shalt  }
0x66: {  	_ =	shalt  }
0x67: {  	_ =	shalt  }
0x68: {  	_ =	shalt  }
0x69: {  	_ =	shalt  }
0x6a: {  	_ =	shalt  }
0x6b: {  	_ =	shalt  }
0x6c: {  	_ =	shalt  }
0x6d: {  	_ =	shalt  }
0x6e: {  	_ =	shalt  }
0x6f: {  	_ =	shalt  }
0x70: {  	_ =	shalt  }
0x71: {  	_ =	shalt  }
0x72: {  	_ =	shalt  }
0x73: {  	_ =	shalt  }
0x74: {  	_ =	shalt  }
0x75: {  	_ =	shalt  }
0x76: {  	_ =	shalt  }
0x77: {  	_ =	shalt  }
0x78: {  	_ =	shalt  }
0x79: {  	_ =	shalt  }
0x7a: {  	_ =	shalt  }
0x7b: {  	_ =	shalt  }
0x7c: {  	_ =	shalt  }
0x7d: {  	_ =	shalt  }
0x7e: {  	_ =	shalt  }
0x7f: {  	_ =	shalt  }
0x80: {  	_ =	shalt  }
0x81: {  	_ =	shalt  }
0x82: {  	_ =	shalt  }
0x83: {  	_ =	shalt  }
0x84: {  	_ =	shalt  }
0x85: {  	_ =	shalt  }
0x86: {  	_ =	shalt  }
0x87: {  	_ =	shalt  }
.Lfunc_end0:
.L_simem_size_0:
called_computation_lowered:
.L_overlay_start_0:
0x88: {  	s2 =	sld [smem:$0x3FD9]  }
0x89: {  	s3 =	sld [smem:$0x3FFE];
	_ =	sdelay $0x1  }
0x8a: {  	s1 =	srdreg.scid  }
0x8b: {  	s0 =	sand.u32 $0x1, s1  }
0x8c: {  	s16 =	sshll.u32 s0, $0xA;
	s2 =	sadd.s32 s3, s2  }
0x8d: {  	s2 =	sadd.s32 s2, s16  }
0x8e: {  	[smem:$0x3FC7] =	sst s2  }
0x8f: {  	_ = 	snop  }
0x90: {  	(tm) =	ssettm $0x1  }
0x91: {  	s17 =	sld [smem:$0x3FFB];
	_ =	sdelay $0x3  }
0x92: {  	_ =	strace s17  }
0x93: {  	s2 =	sld [smem:$0x3FFC];
	_ =	sdelay $0x3  }
0x94: {  	_ =	strace s2  }
0x95: {  	s2 =	sld [smem:$0x3FFD];
	_ =	sdelay $0x3  }
0x96: {  	_ =	strace s2  }
0x97: {  	_ =	strace $0x8FFFFFFF  }
0x98: {  	s18 =	sld [smem:$0x3FDB];
	_ =	sdelay $0x1  }
0x99: {  	s19 =	simm.s32 $_scs_section_size  }
0x9a: {  	s4 =	simm.s32 $_size__tile_overlayer_lowered;
	s5 =	simm.s32 $_tile_overlayer_lowered  }
0x9b: {  	s22 =	simm.s32 $0x1BFF;
	s21 =	sshll.u32 s5, $0x1;
	s2 =	sadd.s32 s19, s18  }
0x9c: {  	s6 =	simm.s32 $0x0;
	s20 =	sshll.u32 s4, $0x1;
	s4 =	sadd.s32 s21, s2  }
0x9d: {  	[timem:s6], [sflag:s22] =	dma.local [hbm:s4], s20  }
0x9e: {  	_ =	swait.ge [sflag:s22], s20  }
0x9f: {  	s3 =	ssub.s32 $0x0, s20;
	[sflag:s22] =	ssyncset.done $0x0  }
0xa0: {  	[sflag:s22] =	ssyncadd.s32 s3;
	_ =	sdelay $0x1  }
0xa1: {  	s23 =	simm.s32 $0x1B8B  }
0xa2: {  	_ =	swait.ge [sflag:s23], $0x1  }
0xa3: {  	[sflag:s23] =	ssyncset.done $0x0  }
0xa4: {  	s25 =	simm.s32 $0x1B8E;
	s24 =	sld [smem:$0x3FFE];
	[sflag:s23] =	ssyncadd.s32 $0xFFFFFFFF  }
0xa5: {  	s26 =	simm.s32 $execute0_lowered;
	[smem:$0x3FD2] =	sst s25  }
0xa6: {  	s4 =	sshll.u32 s26, $0x1;
	_ =	strace $0x80000046;
	[dreg:$0x1] =	wrdreg $0xFFFFFFFF  }
0xa7: {  	s28 =	simm.s32 $_size_execute0_lowered;
	s2 =	sadd.s32 s2, s4;
	[dreg:$0x0] =	wrdreg $0x0  }
0xa8: {  	s4 =	sshll.u32 s28, $0x1;
	[dreg:$0x2] =	wrdreg s2  }
0xa9: {  	[dreg:$0x3] =	wrdreg s4  }
0xaa: {  	[dreg:$0x4] =	wrdreg $0xC0  }
0xab: {  	_ =	task [dreg:s6], $0x5FFFF  }
0xac: {  	[dreg:$0x1] =	wrdreg $0xFFFFFFFF  }
0xad: {  	[dreg:$0x0] =	wrdreg $0x60  }
0xae: {  	[dreg:$0x2] =	wrdreg s24  }
0xaf: {  	[dreg:$0x3] =	wrdreg $0x9  }
0xb0: {  	_ =	task.clear_ibuf [dreg:s6], $0x4FFFF;
	_ =	strace $0x90000046  }
0xb1: {  	s29 =	simm.s32 $0x9;
	_ =	strace $0x80000048  }
0xb2: {  	_ =	swait.ge [sflag:s29], $0x1  }
0xb3: {  	[sflag:s29] =	ssyncadd.s32 $0xFFFFFFFF  }
0xb4: {  	_ =	strace $0x90000048  }
0xb5: {  	_ =	sfence  }
0xb6: {  	s30 =	sld [smem:$0x0];
	_ =	sdelay $0x2  }
0xb7: {  	s31 =	sshll.u32 s1, $0xD;
	s1 =	sshrl.u32 s1, $0x2  }
0xb8: {  	s3 =	sand.u32 $0x4000, s31;
	s1 =	sadd.s32 s1, s30  }
0xb9: {  	s0 =	sor.u32 s3, s0;
	s1 =	sshll.u32 s1, $0x11  }
0xba: {  	s0 =	sor.u32 s1, s0  }
0xbb: {  	s0 =	sadd.s32 $0x8F2B, s0  }
0xbc: {  	[sflag:s0] =	ssyncadd.remote.s32 $0x1  }
0xbd: {  	_ =	sfence.sel $0xFFFF  }
0xbe: {  	[dreg:$0x0] =	wrdreg $0xFFFFFFFF;
	(pc) =	sbr.abs _section_cstart, $3  }
0xbf: {  	[dreg:$0x1] =	wrdreg $0xFFFFFFFF  }
0xc0: {  	_ =	task.clear_ibuf [dreg:s6], $0x2FFFF;
	_ =	strace $0x9FFFFFFF  }
0xc1: {  	(tm) =	ssettm $0x7FFFFFFF  }
tec
execute0_lowered:
.L_overlay_start_1:
0x0: {  	(tag) =	ssettag $0x1  }
0x1: {  	s7 =	rddreg [dreg:$0x0]  }
0x2: {  	s0 =	rddreg [dreg:$0x1];
	s1 =	simm.s32 $0x0;
	s2 =	srdreg.scid  }
0x3: {  	s3 =	stileid.u32;
	s10 =	simm.s32 $0x1;
	s11 =	simm.s32 $0x5000  }
0x4: {  	s12 =	simm.s32 $0x5380;
	s13 =	simm.s32 $0xA380;
	s2 =	sand.u32 $0x1, s2  }
0x5: {  	s14 =	simm.s32 $0x0;
	[smem:$0x7FF] =	sst s1;
	s8 =	ssub.s32 $0x2, s2  }
0x6: {  	s4 =	sadd.s32 $0xA00, s7;
	s5 =	sadd.s32 $0xA5A00, s7;
	s9 =	sshrl.u32 s8, $0x1  }
0x7: {  	s6 =	sadd.s32 $0x64A00, s7;
	s7 =	sadd.s32 $0x78A00, s7;
	s9 =	ssub.s32 s8, s9  }
0x8: {  	v0 =	vimm.s32 $0x4FFF;
	v1 =	vlaneseq.u32;
	_ =	strace $0x80000047;
	s8 =	sshll.u32 s3, $0x1;
	s9 =	smax.u32 s9, $0x1  }
.LBB2_1:
0x9: {  	s15 =	simm.s32 $0x0  }
.LBB2_2:
0xa: {  	s16 =	sshll.u32 s15, $0x5  }
0xb: {  	s17 =	sor.u32 s8, s16  }
0xc: {  	s16 =	sor.u32 s2, s17  }
0xd: {  	s18 =	smul.u32 $0xA00, s16;
	_ =	sdelay $0x1  }
0xe: {  	s19 =	simm.s32 $0x0;
	s20 =	sadd.s32 s4, s18  }
0xf: {  	[tilespmem:s19], [sflag:$0x1] =	stream.linear.gather [hbm4b:s20+s19], $0x5000, $0x38;
	[tilespmem:$0xB380] =	vst v63  }
0x10: {  	_ =	swait.ge [sflag:s10], $0x5000  }
0x11: {  	[sflag:s10] =	ssyncset.done $0x0  }
0x12: {  	s21 =	simm.s32 $0x0;
	s20 =	simm.s32 $0x40;
	[sflag:s10] =	ssyncadd.s32 $0xFFFFB000  }
.LBB2_3:
0x13: {  	p0 =	sne.s32 s20, $0xC40;
	[tilespmem:s21+$0x5000] =	vst v0;
	s21 =	smov.u32 s20;
	s20 =	sadd.s32 $0x40, s20  }
.Ltmp0:
0x14: {  	(pc) =	sbr.rel @p0 .LBB2_3-.Ltmp0, $2  }
0x15: {  	_ =	sdelay $0x2  }
0x16: {  	s21 =	sshra.s32 s21, $0x2  }
0x17: {  	[tilespmem:s21+$0x5000] =	vst v0  }
0x18: {  	s20 =	simm.s32 $0x10;
	s21 =	simm.s32 $0x0;
	v2 =	vld [tilespmem:s19+$0x0]  }
.LBB2_5:
0x19: {  	p0 =	sne.s32 s20, $0x4FF0;
	_ =	sdelay $0x3  }
0x1a: {  	vm0 =	vlt.s32 v2, $0x320;
	_ =	sdelay $0x2  }
.Ltmp1:
0x1b: {  	(pc) =	sbr.rel @p0 .LBB2_5-.Ltmp1, $4  }
0x1c: {  	_ = 	snop  }
0x1d: {  	v3 =	vor.u32 s19, v1;
	s19 =	smov.u32 s20  }
0x1e: {  	s21 =	sadd.s32 $0x10, s21;
	[tilespmem:v2+s11+$0x0] =	vst.idx.msk vm0, v3  }
0x1f: {  	s20 =	sadd.s32 $0x10, s20;
	v2 =	vld [tilespmem:s21+$0x0]  }
0x20: {  	_ =	sdelay $0x3  }
0x21: {  	vm0 =	vlt.s32 v2, $0x320;
	_ =	sdelay $0x4  }
0x22: {  	v3 =	vor.u32 s19, v1  }
0x23: {  	s18 =	sadd.s32 s5, s18;
	s31 =	simm.s32 $0x0;
	[tilespmem:v2+s11+$0x0] =	vst.idx.msk vm0, v3  }
0x24: {  	[tilespmem:s12], [sflag:$0x1] =	stream.linear.gather [hbm4b:s18+s31], $0x5000, $0x38;
	[tilespmem:$0xB380] =	vst v63  }
0x25: {  	_ =	swait.ge [sflag:s10], $0x5000  }
0x26: {  	[sflag:s10] =	ssyncset.done $0x0  }
0x27: {  	s18 =	simm.s32 $0x0;
	[sflag:s10] =	ssyncadd.s32 $0xFFFFB000  }
0x28: {  	v2 =	vld [tilespmem:s18+$0x5000];
	_ =	sdelay $0x7  }
0x29: {  	s19 =	simm.s32 $0x10;
	s20 =	simm.s32 $0x80;
	v2 =	vld.idx.msk [tilespmem:v2+s12+$0x0], $0xffff  }
.LBB2_7:
0x2a: {  	p0 =	sne.s32 s20, $0xC40;
	v3 =	vld [tilespmem:s19+$0x5000];
	_ =	sdelay $0x3  }
.Ltmp2:
0x2b: {  	(pc) =	sbr.rel @p0 .LBB2_7-.Ltmp2, $2  }
0x2c: {  	[tilespmem:s18+$0xA380] =	vst v2;
	s18 =	smov.u32 s19;
	_ =	sdelay $0x2  }
0x2d: {  	s19 =	sshra.s32 s20, $0x2;
	s20 =	sadd.s32 $0x40, s20;
	v2 =	vld.idx.msk [tilespmem:v3+s12+$0x0], $0xffff  }
0x2e: {  	v3 =	vld [tilespmem:s19+$0x5000];
	_ =	sdelay $0x6  }
0x2f: {  	[tilespmem:s18+$0xA380] =	vst v2  }
0x30: {  	s17 =	smulhi.u32 $0x66666667, s17;
	v2 =	vld.idx.msk [tilespmem:v3+s12+$0x0], $0xffff;
	_ =	sdelay $0x1  }
0x31: {  	s17 =	sshrl.u32 s17, $0x3  }
0x32: {  	s30 =	smul.u32 $0x2800, s17;
	_ =	sdelay $0x1  }
0x33: {  	s31 =	simm.s32 $0x0;
	s18 =	sadd.s32 s6, s30;
	[tilespmem:s19+$0xA380] =	vst v2  }
0x34: {  	[tilespmem:s12], [sflag:$0x1] =	stream.linear.gather [hbm4b:s18+s31], $0x5000, $0x38;
	[tilespmem:$0xB380] =	vst v63  }
0x35: {  	_ =	swait.ge [sflag:s10], $0x5000  }
0x36: {  	[sflag:s10] =	ssyncset.done $0x0  }
0x37: {  	s18 =	simm.s32 $0x0;
	[sflag:s10] =	ssyncadd.s32 $0xFFFFB000  }
0x38: {  	v2 =	vld [tilespmem:s18+$0x5000];
	_ =	sdelay $0x7  }
0x39: {  	s20 =	simm.s32 $0x80;
	s19 =	simm.s32 $0x10;
	v2 =	vld.idx.msk [tilespmem:v2+s12+$0x0], $0xffff  }
.LBB2_9:
0x3a: {  	p0 =	sne.s32 s20, $0xC40;
	v3 =	vld [tilespmem:s19+$0x5000];
	_ =	sdelay $0x3  }
.Ltmp3:
0x3b: {  	(pc) =	sbr.rel @p0 .LBB2_9-.Ltmp3, $2  }
0x3c: {  	[tilespmem:s18+$0xA6A0] =	vst v2;
	s18 =	smov.u32 s19;
	_ =	sdelay $0x2  }
0x3d: {  	s19 =	sshra.s32 s20, $0x2;
	s20 =	sadd.s32 $0x40, s20;
	v2 =	vld.idx.msk [tilespmem:v3+s12+$0x0], $0xffff  }
0x3e: {  	v3 =	vld [tilespmem:s19+$0x5000];
	_ =	sdelay $0x6  }
0x3f: {  	[tilespmem:s18+$0xA6A0] =	vst v2  }
0x40: {  	v2 =	vld.idx.msk [tilespmem:v3+s12+$0x0], $0xffff  }
0x41: {  	s17 =	smul.u32 $0x14000, s17;
	_ =	sdelay $0x1  }
0x42: {  	s17 =	sshrl.u32 s17, $0x3  }
0x43: {  	s17 =	sadd.s32 s6, s17  }
0x44: {  	s31 =	simm.s32 $0x0;
	s30 =	sadd.s32 $0xA00, s17;
	[tilespmem:s19+$0xA6A0] =	vst v2  }
0x45: {  	[tilespmem:s12], [sflag:$0x1] =	stream.linear.gather [hbm4b:s30+s31], $0x5000, $0x38;
	[tilespmem:$0xB380] =	vst v63  }
0x46: {  	_ =	swait.ge [sflag:s10], $0x5000  }
0x47: {  	[sflag:s10] =	ssyncset.done $0x0  }
0x48: {  	s18 =	simm.s32 $0x0;
	[sflag:s10] =	ssyncadd.s32 $0xFFFFB000  }
0x49: {  	v2 =	vld [tilespmem:s18+$0x5000];
	_ =	sdelay $0x7  }
0x4a: {  	s20 =	simm.s32 $0x80;
	s19 =	simm.s32 $0x10;
	v2 =	vld.idx.msk [tilespmem:v2+s12+$0x0], $0xffff  }
.LBB2_11:
0x4b: {  	p0 =	sne.s32 s20, $0xC40;
	v3 =	vld [tilespmem:s19+$0x5000];
	_ =	sdelay $0x3  }
.Ltmp4:
0x4c: {  	(pc) =	sbr.rel @p0 .LBB2_11-.Ltmp4, $2  }
0x4d: {  	[tilespmem:s18+$0xA9C0] =	vst v2;
	s18 =	smov.u32 s19;
	_ =	sdelay $0x2  }
0x4e: {  	s19 =	sshra.s32 s20, $0x2;
	s20 =	sadd.s32 $0x40, s20;
	v2 =	vld.idx.msk [tilespmem:v3+s12+$0x0], $0xffff  }
0x4f: {  	v3 =	vld [tilespmem:s19+$0x5000];
	_ =	sdelay $0x6  }
0x50: {  	[tilespmem:s18+$0xA9C0] =	vst v2  }
0x51: {  	v2 =	vld.idx.msk [tilespmem:v3+s12+$0x0], $0xffff;
	_ =	sdelay $0x4  }
0x52: {  	s30 =	sadd.s32 $0x1400, s17;
	s31 =	simm.s32 $0x0;
	[tilespmem:s19+$0xA9C0] =	vst v2  }
0x53: {  	[tilespmem:s12], [sflag:$0x1] =	stream.linear.gather [hbm4b:s30+s31], $0x5000, $0x38;
	[tilespmem:$0xB380] =	vst v63  }
0x54: {  	_ =	swait.ge [sflag:s10], $0x5000  }
0x55: {  	[sflag:s10] =	ssyncset.done $0x0  }
0x56: {  	s18 =	simm.s32 $0x0;
	[sflag:s10] =	ssyncadd.s32 $0xFFFFB000  }
0x57: {  	v2 =	vld [tilespmem:s18+$0x5000];
	_ =	sdelay $0x7  }
0x58: {  	s20 =	simm.s32 $0x80;
	s19 =	simm.s32 $0x10;
	v2 =	vld.idx.msk [tilespmem:v2+s12+$0x0], $0xffff  }
.LBB2_13:
0x59: {  	p0 =	sne.s32 s20, $0xC40;
	v3 =	vld [tilespmem:s19+$0x5000];
	_ =	sdelay $0x3  }
.Ltmp5:
0x5a: {  	(pc) =	sbr.rel @p0 .LBB2_13-.Ltmp5, $2  }
0x5b: {  	[tilespmem:s18+$0xACE0] =	vst v2;
	s18 =	smov.u32 s19;
	_ =	sdelay $0x2  }
0x5c: {  	s19 =	sshra.s32 s20, $0x2;
	s20 =	sadd.s32 $0x40, s20;
	v2 =	vld.idx.msk [tilespmem:v3+s12+$0x0], $0xffff  }
0x5d: {  	v3 =	vld [tilespmem:s19+$0x5000];
	_ =	sdelay $0x6  }
0x5e: {  	[tilespmem:s18+$0xACE0] =	vst v2  }
0x5f: {  	v2 =	vld.idx.msk [tilespmem:v3+s12+$0x0], $0xffff;
	_ =	sdelay $0x4  }
0x60: {  	s31 =	sadd.s32 $0x1E00, s17;
	s17 =	simm.s32 $0x0;
	[tilespmem:s19+$0xACE0] =	vst v2  }
0x61: {  	[tilespmem:s12], [sflag:$0x1] =	stream.linear.gather [hbm4b:s31+s17], $0x5000, $0x38;
	[tilespmem:$0xB380] =	vst v63  }
0x62: {  	_ =	swait.ge [sflag:s10], $0x5000  }
0x63: {  	[sflag:s10] =	ssyncset.done $0x0  }
0x64: {  	s18 =	simm.s32 $0x5000;
	[sflag:s10] =	ssyncadd.s32 $0xFFFFB000  }
0x65: {  	s19 =	simm.s32 $0x10;
	v2 =	vld [tilespmem:s18+$0x0]  }
.LBB2_15:
0x66: {  	p0 =	sne.s32 s19, $0x310;
	_ =	sdelay $0x6  }
0x67: {  	v2 =	vld.idx.msk [tilespmem:v2+s12+$0x0], $0xffff;
	_ =	sdelay $0x2  }
.Ltmp6:
0x68: {  	(pc) =	sbr.rel @p0 .LBB2_15-.Ltmp6, $4  }
0x69: {  	_ = 	snop  }
0x6a: {  	s20 =	sand.u32 $0x3F0, s17;
	s17 =	smov.u32 s19  }
0x6b: {  	s18 =	sadd.s32 $0x10, s18;
	[tilespmem:s20+$0xB000] =	vst v2  }
0x6c: {  	s19 =	sadd.s32 $0x10, s19;
	v2 =	vld [tilespmem:s18+$0x0]  }
0x6d: {  	_ =	sdelay $0x7  }
0x6e: {  	v2 =	vld.idx.msk [tilespmem:v2+s12+$0x0], $0xffff;
	_ =	sdelay $0x2  }
0x6f: {  	s16 =	smul.u32 $0x1F4, s16;
	s15 =	sadd.s32 $0x1, s15  }
0x70: {  	s17 =	sand.u32 $0x3F0, s17;
	p0 =	sne.s32 s15, $0x5  }
.Ltmp7:
0x71: {  	s16 =	sadd.s32 s7, s16;
	[tilespmem:s17+$0xB000] =	vst v2;
	(pc) =	sbr.rel @p0 .LBB2_2-.Ltmp7, $4  }
0x72: {  	[hbm4b:s16+s1] =	stream.linear.scatter [tilespmem:s13], [sflag:$0x1], $0xFA0, $0x38;
	[tilespmem:$0xB380] =	vst v63  }
0x73: {  	_ =	swait.ge [sflag:s10], $0xFA0  }
0x74: {  	[sflag:s10] =	ssyncset.done $0x0  }
0x75: {  	[sflag:s10] =	ssyncadd.s32 $0xFFFFF060  }
0x76: {  	s14 =	sadd.s32 $0x1, s14  }
0x77: {  	p0 =	sne.s32 s14, s9  }
.Ltmp8:
0x78: {  	_ = 	snop;
	(pc) =	sbr.rel @p0 .LBB2_1-.Ltmp8, $1  }
0x79: {  	_ =	sdelay $0x3  }
0x7a: {  	_ =	sfence.sel $0x180000  }
0x7b: {  	[bflag:$0x0] =	sbarrier.arrive $0xFFFF  }
0x7c: {  	p0 =	sne.s32 s3, $0x0;
	_ =	strace $0x90000047  }
0x7d: {  	s0 =	sadd.s32 @!p0 $0x100000, s0;
	[bflag:$0x2] =	sbarrier.arrive $0xFFFF  }
0x7e: {  	[sflag:s0] =	ssyncadd.tile.s32 @!p0 $0x1;
	_ =	shalt  }
.Lfunc_end2:
_tile_overlayer_lowered:
.L_overlay_start_2:
0x7f: {  	(tag) =	ssettag $0x2  }
0x80: {  	s0 =	rddreg [dreg:$0x0];
	s2 =	stileid.u32  }
0x81: {  	s1 =	rddreg [dreg:$0x1];
	p0 =	sne.s32 s2, $0x0  }
0x82: {  	s3 =	rddreg [dreg:$0x2];
	[bflag:$0x3] =	sbarrier.arrive $0xFFFF;
	s2 =	simm.s32 @!p0 $0x1C01  }
0x83: {  	[timem:s3], [sflag:s2] =	dma.local @!p0 [hbm:s0], s1  }
0x84: {  	s0 =	simm.s32 @!p0 $0x1  }
0x85: {  	_ =	swait.ge @!p0 [sflag:s0], s1  }
0x86: {  	s1 =	ssub.s32 @!p0 $0x0, s1;
	[sflag:s0] =	ssyncset.done @!p0 $0x0  }
0x87: {  	[sflag:s0] =	ssyncadd.s32 @!p0 s1  }
0x88: {  	[bflag:$0x3] =	sbarrier.arrive $0xFFFF  }
0x89: {  	_ =	shalt  }

</sc_bundles>
